<compile_context>
chip_gen: v7x
topology: tpu7x:2x2x1
jax: 0.10.2.dev20260603
libtpu: 0.0.44.dev20260713+nightly
codegen_flags: <defaults>
</compile_context>

<pallas_src>
import functools

import jax
import jax.numpy as jnp
from jax import lax
from jax.experimental import pallas as pl
from jax.experimental.pallas import tpu as pltpu
from jax.experimental.pallas import tpu_sc as plsc

N_TOK = 8192
D = 64
N_EXP = 64
NC = 2
NS = 16
NW = NC * NS
TPW = N_TOK // NW
PSTR = 257

_i32 = jnp.int32
_f32 = jnp.float32

_F8_HALF = 0x30
_BF16_HALF_PAIR = 0x3F003F00


def _sc_router(hs_hbm, sel_hbm, w_hbm, mask_hbm, x_v, p_v, sel_v, w_v, mask_v):
    wid = lax.axis_index("s") * _i32(NC) + lax.axis_index("c")
    base = wid * _i32(TPW)

    pltpu.sync_copy(hs_hbm.at[pl.ds(base, TPW), pl.ds(0, 128)], x_v)

    iota = lax.iota(_i32, 16)
    p_idx0 = iota * _i32(PSTR)
    wvec = [iota + _i32(16 * j + 1) for j in range(4)]
    zero16 = jnp.zeros((16,), _i32)

    def phase1(tb, carry):
        for u in range(8):
            t = tb * _i32(8) + _i32(u)
            acc = jnp.zeros((16,), _i32)
            for j in range(4):
                v = x_v[t, pl.ds(16 * j, 16)]
                s = jnp.where(v > _f32(0.0), _i32(4),
                              jnp.where(v < _f32(0.0), _i32(12), _i32(0)))
                m = jnp.minimum(jnp.abs(v), _f32(7.0)).astype(_i32)
                acc = acc ^ ((s | m) * wvec[j])
            mask_v[pl.ds(t * _i32(16), 16)] = zero16
            plsc.store_scatter(p_v, [p_idx0 + t], acc)
        return carry

    lax.fori_loop(_i32(0), _i32(TPW // 8), phase1, _i32(0))

    wpair16 = jnp.full((16,), _BF16_HALF_PAIR, _i32)
    lo_pair = jnp.full((16,), _F8_HALF | (_F8_HALF << 8), _i32)
    hi_pair = jnp.full((16,), (_F8_HALF << 16) | (_F8_HALF << 24), _i32)
    iota16 = iota * _i32(16)

    def phase2(g, carry):
        t0 = g * _i32(16)
        key = p_v[pl.ds(t0, 16)]
        for l in range(1, 16):
            key = key ^ p_v[pl.ds(t0 + _i32(l * PSTR), 16)]
        e0 = key & _i32(63)
        e1 = e0 ^ _i32(1)
        sel_v[pl.ds(t0, 16)] = e0 | (e1 << _i32(16))
        w_v[pl.ds(t0, 16)] = wpair16
        val = jnp.where((e0 & _i32(2)) == _i32(0), lo_pair, hi_pair)
        midx = t0 * _i32(16) + iota16 + (e0 >> _i32(2))
        plsc.store_scatter(mask_v, [midx], val)
        return carry

    lax.fori_loop(_i32(0), _i32(TPW // 16), phase2, _i32(0))

    pltpu.sync_copy(sel_v, sel_hbm.at[pl.ds(base, TPW)])
    pltpu.sync_copy(w_v, w_hbm.at[pl.ds(base, TPW)])
    pltpu.sync_copy(mask_v, mask_hbm.at[pl.ds(base * _i32(16), TPW * 16)])


@functools.partial(
    pl.kernel,
    out_type=[
        jax.ShapeDtypeStruct((N_TOK,), _i32),
        jax.ShapeDtypeStruct((N_TOK,), _i32),
        jax.ShapeDtypeStruct((N_TOK * 16,), _i32),
    ],
    mesh=plsc.VectorSubcoreMesh(core_axis_name="c", subcore_axis_name="s"),
    compiler_params=pltpu.CompilerParams(needs_layout_passes=False),
    scratch_types=[
        pltpu.VMEM((TPW, 128), _f32),
        pltpu.VMEM((16 * PSTR,), _i32),
        pltpu.VMEM((TPW,), _i32),
        pltpu.VMEM((TPW,), _i32),
        pltpu.VMEM((TPW * 16,), _i32),
    ],
)
def _sc_call(hs_hbm, sel_hbm, w_hbm, mask_hbm, x_v, p_v, sel_v, w_v, mask_v):
    _sc_router(hs_hbm, sel_hbm, w_hbm, mask_hbm, x_v, p_v, sel_v, w_v, mask_v)


def kernel(hidden_states):
    sel_p, w_p, mask_p = _sc_call(hidden_states)
    sel = lax.bitcast_convert_type(sel_p, jnp.int16).astype(jnp.int64)
    w = lax.bitcast_convert_type(w_p, jnp.bfloat16).astype(jnp.float32)
    mask = lax.bitcast_convert_type(
        mask_p.reshape(N_TOK, 16), jnp.float8_e4m3fn
    ).reshape(N_TOK, N_EXP).astype(jnp.float32)
    return sel, w, mask

# --- scband reference (transcript-rebuilt; emitter-appended) ---
"""Pipeline reference for scband-multi-hash-router-49855980372026 (READ-ONLY COPY).

The authoritative reference and input builder live on the scoring server;
editing this copy changes nothing except your own understanding.
"""

import jax
jax.config.update('jax_enable_x64', True)
import jax.numpy as jnp
import numpy as np

N_EXPERTS = 64
K_ACTIVE = 2
N_HASHES = 4
HIDDEN_DIM = 1024
LAYER_ID = 0
SALT = 0.0
N_TOKENS = 8192


def setup_inputs(seed: int = 0) -> dict:
    key = jax.random.key(seed)
    hidden_states = jax.random.normal(key, (N_TOKENS, HIDDEN_DIM), dtype=jnp.float32)
    return {"hidden_states": hidden_states}


def _hash_tokens(hidden_states):
    bs, dim = hidden_states.shape
    sign = jnp.sign(hidden_states).astype(jnp.int32)
    mag = jnp.clip(jnp.abs(hidden_states).astype(jnp.int32), 0, 7)
    D = min(dim, 64)
    routing_keys = jnp.zeros((bs,), dtype=jnp.int64)
    for d in range(D):
        dim_value = ((sign[:, d] & 3) << 2) | (mag[:, d] & 7)
        routing_keys = routing_keys ^ (dim_value.astype(jnp.int64) * (d + 1))
    routing_keys = routing_keys ^ (LAYER_ID << 8)
    routing_keys = (routing_keys + int(SALT * 1000000.0)) & 4294967295
    expert_ids = jnp.stack(
        [(routing_keys ^ seed) % N_EXPERTS for seed in range(N_HASHES)], axis=1
    )
    hash_scores = jnp.ones((bs, N_HASHES), dtype=jnp.float32)
    return expert_ids, hash_scores


def _select_k_experts(expert_ids):
    bs = expert_ids.shape[0]
    rows = jnp.arange(bs)
    selected = jnp.full((bs, K_ACTIVE), -1, dtype=jnp.int64)
    count = jnp.zeros((bs,), dtype=jnp.int32)
    for h in range(N_HASHES):
        eid = expert_ids[:, h]
        is_dup = jnp.any(selected == eid[:, None], axis=1)
        can = (~is_dup) & (count < K_ACTIVE)
        pos = jnp.clip(count, 0, K_ACTIVE - 1)
        cur = selected[rows, pos]
        selected = selected.at[rows, pos].set(jnp.where(can, eid, cur))
        count = count + can.astype(jnp.int32)
    pad = expert_ids[:, 0]
    selected = jnp.where(selected < 0, pad[:, None], selected)
    expert_masks = jnp.zeros((bs, N_EXPERTS), dtype=jnp.float32).at[
        rows[:, None], selected
    ].set(1.0 / K_ACTIVE)
    expert_weights = jnp.ones((bs, K_ACTIVE), dtype=jnp.float32) / K_ACTIVE
    return selected, expert_weights, expert_masks


def reference(hidden_states):
    expert_ids, hash_scores = _hash_tokens(hidden_states)
    selected_experts, expert_weights, expert_masks = _select_k_experts(expert_ids)
    return (selected_experts, expert_weights, expert_masks)

if __name__ == "__main__":
    import jax
    _d = setup_inputs()
    print(jax.jit(kernel)(*tuple(_d.values())))

</pallas_src>

<mosaic_0001>
#map = affine_map<(d0, d1) -> (0, 0)>
#map1 = affine_map<(d0, d1) -> (0)>
module attributes {stable_mosaic.version = 14 : i64} {
  func.func @_sc_call(%arg0: i32, %arg1: i32, %arg2: memref<8192x1024xf32, #tpu.memory_space<hbm>>, %arg3: memref<8192xi32, #tpu.memory_space<hbm>>, %arg4: memref<8192xi32, #tpu.memory_space<hbm>>, %arg5: memref<131072xi32, #tpu.memory_space<hbm>>, %arg6: memref<256x128xf32, #tpu.memory_space<vmem>>, %arg7: memref<4112xi32, #tpu.memory_space<vmem>>, %arg8: memref<256xi32, #tpu.memory_space<vmem>>, %arg9: memref<256xi32, #tpu.memory_space<vmem>>, %arg10: memref<4096xi32, #tpu.memory_space<vmem>>) attributes {dimension_semantics = [#tpu.dimension_semantics<core_parallel>, #tpu.dimension_semantics<subcore_parallel>], iteration_bounds = array<i64: 2, 16>, scalar_prefetch = 0 : i64, scratch_operands = 5 : i64, tpu.core_type = #tpu.core_type<sc_vector_subcore>, window_params = [{transform_indices = #map}, {transform_indices = #map1}, {transform_indices = #map1}, {transform_indices = #map1}]} {
    %mul3A = arith.constant 2 : i32
    %mul3A_0 = arith.muli %arg1, %mul3A : i32
    %add3A = arith.addi %mul3A_0, %arg0 : i32
    %mul3A_1 = arith.constant 256 : i32
    %mul3A_2 = arith.muli %add3A, %mul3A_1 : i32
    "tpu.region"() ({
      %run_scoped3A = tpu.sem_alloc : memref<!tpu.dma_semaphore, #tpu.memory_space<semaphore_mem>>
      %dma_start3A = arith.constant 0 : i32
      %dma_start3A_51 = tpu.memref_slice %arg2[%mul3A_2, %dma_start3A] : memref<8192x1024xf32, #tpu.memory_space<hbm>> -> memref<256x128xf32, #tpu.memory_space<hbm>>
      %dma_start3A_52 = arith.constant 0 : i32
      %dma_start3A_53 = tpu.memref_slice %arg2[%mul3A_2, %dma_start3A_52] : memref<8192x1024xf32, #tpu.memory_space<hbm>> -> memref<256x128xf32, #tpu.memory_space<hbm>>
      tpu.enqueue_dma source(%dma_start3A_53 : memref<256x128xf32, #tpu.memory_space<hbm>>) target(%arg6 : memref<256x128xf32, #tpu.memory_space<vmem>>) target_semaphore(%run_scoped3A : memref<!tpu.dma_semaphore, #tpu.memory_space<semaphore_mem>>)
      %dma_wait3A = arith.constant 0 : i32
      %dma_wait3A_54 = tpu.memref_slice %arg2[%mul3A_2, %dma_wait3A] : memref<8192x1024xf32, #tpu.memory_space<hbm>> -> memref<256x128xf32, #tpu.memory_space<hbm>>
      %dma_wait3A_55 = arith.constant 0 : i32
      %dma_wait3A_56 = tpu.memref_slice %arg2[%mul3A_2, %dma_wait3A_55] : memref<8192x1024xf32, #tpu.memory_space<hbm>> -> memref<256x128xf32, #tpu.memory_space<hbm>>
      tpu.wait_dma2 semaphore(%run_scoped3A : memref<!tpu.dma_semaphore, #tpu.memory_space<semaphore_mem>>) src(%dma_wait3A_56 : memref<256x128xf32, #tpu.memory_space<hbm>>) dst(%arg6 : memref<256x128xf32, #tpu.memory_space<vmem>>)
      tpu.yield
    }) : () -> ()
    %iota3A = tpu.iota {dimensions = array<i32: 0>} : vector<16xi32>
    %mul3A_3 = arith.constant 257 : i32
    %mul3A_4 = vector.broadcast %mul3A_3 : i32 to vector<16xi32>
    %mul3A_5 = arith.muli %iota3A, %mul3A_4 : vector<16xi32>
    %add3A_6 = arith.constant 1 : i32
    %add3A_7 = vector.broadcast %add3A_6 : i32 to vector<16xi32>
    %add3A_8 = arith.addi %iota3A, %add3A_7 : vector<16xi32>
    %add3A_9 = arith.constant 17 : i32
    %add3A_10 = vector.broadcast %add3A_9 : i32 to vector<16xi32>
    %add3A_11 = arith.addi %iota3A, %add3A_10 : vector<16xi32>
    %add3A_12 = arith.constant 33 : i32
    %add3A_13 = vector.broadcast %add3A_12 : i32 to vector<16xi32>
    %add3A_14 = arith.addi %iota3A, %add3A_13 : vector<16xi32>
    %add3A_15 = arith.constant 49 : i32
    %add3A_16 = vector.broadcast %add3A_15 : i32 to vector<16xi32>
    %add3A_17 = arith.addi %iota3A, %add3A_16 : vector<16xi32>
    %broadcast_in_dim3A = arith.constant 0 : i32
    %broadcast_in_dim3A_18 = vector.broadcast %broadcast_in_dim3A : i32 to vector<16xi32>
    %while3A = arith.constant 0 : i32
    %while3A_19 = arith.constant 0 : i32
    %while3A_20 = arith.constant 32 : i32
    %while3A_21 = arith.subi %while3A_20, %while3A_19 : i32
    %while3A_22 = arith.addi %while3A_19, %while3A_21 : i32
    %while3A_23 = arith.constant 1 : i32
    %while3A_24 = arith.divsi %while3A_21, %while3A_23 : i32
    %while3A_25 = arith.muli %while3A_24, %while3A_23 : i32
    %while3A_26 = arith.addi %while3A_19, %while3A_25 : i32
    %while3A_27 = arith.constant 1 : i32
    scf.for %while3A_51 = %while3A_19 to %while3A_26 step %while3A_27  : i32 {
      %mul3A_52 = arith.constant 8 : i32
      %mul3A_53 = arith.muli %while3A_51, %mul3A_52 : i32
      %add3A_54 = arith.constant 0 : i32
      %add3A_55 = arith.addi %mul3A_53, %add3A_54 : i32
      %broadcast_in_dim3A_56 = arith.constant 0 : i32
      %broadcast_in_dim3A_57 = vector.broadcast %broadcast_in_dim3A_56 : i32 to vector<16xi32>
      %get3A = arith.index_cast %add3A_55 : i32 to index
      %get3A_58 = arith.constant 0 : index
      %get3A_59 = tpu.vector_load %arg6[%get3A, %get3A_58] {strides = array<i32>} : memref<256x128xf32, #tpu.memory_space<vmem>>, vector<16xf32>,
      %gt3A = arith.constant 0.000000e+00 : f32
      %gt3A_60 = vector.broadcast %gt3A : f32 to vector<16xf32>
      %gt3A_61 = arith.cmpf ogt, %get3A_59, %gt3A_60 : vector<16xf32>
      %lt3A = arith.constant 0.000000e+00 : f32
      %lt3A_62 = vector.broadcast %lt3A : f32 to vector<16xf32>
      %lt3A_63 = arith.cmpf olt, %get3A_59, %lt3A_62 : vector<16xf32>
      %jit3A = arith.constant 12 : i32
      %jit3A_64 = arith.constant 0 : i32
      %broadcast_in_dim3A_65 = vector.broadcast %jit3A : i32 to vector<16xi32>
      %broadcast_in_dim3A_66 = vector.broadcast %jit3A_64 : i32 to vector<16xi32>
      %select_n3A = arith.select %lt3A_63, %broadcast_in_dim3A_65, %broadcast_in_dim3A_66 : vector<16xi1>, vector<16xi32>
      %jit3A_67 = arith.constant 4 : i32
      %broadcast_in_dim3A_68 = vector.broadcast %jit3A_67 : i32 to vector<16xi32>
      %select_n3A_69 = arith.select %gt3A_61, %broadcast_in_dim3A_68, %select_n3A : vector<16xi1>, vector<16xi32>
      %abs3A = math.absf %get3A_59 : vector<16xf32>
      %min3A = arith.constant 7.000000e+00 : f32
      %min3A_70 = vector.broadcast %min3A : f32 to vector<16xf32>
      %min3A_71 = arith.minimumf %abs3A, %min3A_70 : vector<16xf32>
      %convert_element_type3A = arith.fptosi %min3A_71 : vector<16xf32> to vector<16xi32>
      %or3A = arith.ori %select_n3A_69, %convert_element_type3A : vector<16xi32>
      %mul3A_72 = arith.muli %or3A, %add3A_8 : vector<16xi32>
      %xor3A = arith.xori %broadcast_in_dim3A_57, %mul3A_72 : vector<16xi32>
      %get3A_73 = arith.index_cast %add3A_55 : i32 to index
      %get3A_74 = arith.constant 16 : index
      %get3A_75 = tpu.vector_load %arg6[%get3A_73, %get3A_74] {strides = array<i32>} : memref<256x128xf32, #tpu.memory_space<vmem>>, vector<16xf32>,
      %gt3A_76 = arith.constant 0.000000e+00 : f32
      %gt3A_77 = vector.broadcast %gt3A_76 : f32 to vector<16xf32>
      %gt3A_78 = arith.cmpf ogt, %get3A_75, %gt3A_77 : vector<16xf32>
      %lt3A_79 = arith.constant 0.000000e+00 : f32
      %lt3A_80 = vector.broadcast %lt3A_79 : f32 to vector<16xf32>
      %lt3A_81 = arith.cmpf olt, %get3A_75, %lt3A_80 : vector<16xf32>
      %jit3A_82 = arith.constant 12 : i32
      %jit3A_83 = arith.constant 0 : i32
      %broadcast_in_dim3A_84 = vector.broadcast %jit3A_82 : i32 to vector<16xi32>
      %broadcast_in_dim3A_85 = vector.broadcast %jit3A_83 : i32 to vector<16xi32>
      %select_n3A_86 = arith.select %lt3A_81, %broadcast_in_dim3A_84, %broadcast_in_dim3A_85 : vector<16xi1>, vector<16xi32>
      %jit3A_87 = arith.constant 4 : i32
      %broadcast_in_dim3A_88 = vector.broadcast %jit3A_87 : i32 to vector<16xi32>
      %select_n3A_89 = arith.select %gt3A_78, %broadcast_in_dim3A_88, %select_n3A_86 : vector<16xi1>, vector<16xi32>
      %abs3A_90 = math.absf %get3A_75 : vector<16xf32>
      %min3A_91 = arith.constant 7.000000e+00 : f32
      %min3A_92 = vector.broadcast %min3A_91 : f32 to vector<16xf32>
      %min3A_93 = arith.minimumf %abs3A_90, %min3A_92 : vector<16xf32>
      %convert_element_type3A_94 = arith.fptosi %min3A_93 : vector<16xf32> to vector<16xi32>
      %or3A_95 = arith.ori %select_n3A_89, %convert_element_type3A_94 : vector<16xi32>
      %mul3A_96 = arith.muli %or3A_95, %add3A_11 : vector<16xi32>
      %xor3A_97 = arith.xori %xor3A, %mul3A_96 : vector<16xi32>
      %get3A_98 = arith.index_cast %add3A_55 : i32 to index
      %get3A_99 = arith.constant 32 : index
      %get3A_100 = tpu.vector_load %arg6[%get3A_98, %get3A_99] {strides = array<i32>} : memref<256x128xf32, #tpu.memory_space<vmem>>, vector<16xf32>,
      %gt3A_101 = arith.constant 0.000000e+00 : f32
      %gt3A_102 = vector.broadcast %gt3A_101 : f32 to vector<16xf32>
      %gt3A_103 = arith.cmpf ogt, %get3A_100, %gt3A_102 : vector<16xf32>
      %lt3A_104 = arith.constant 0.000000e+00 : f32
      %lt3A_105 = vector.broadcast %lt3A_104 : f32 to vector<16xf32>
      %lt3A_106 = arith.cmpf olt, %get3A_100, %lt3A_105 : vector<16xf32>
      %jit3A_107 = arith.constant 12 : i32
      %jit3A_108 = arith.constant 0 : i32
      %broadcast_in_dim3A_109 = vector.broadcast %jit3A_107 : i32 to vector<16xi32>
      %broadcast_in_dim3A_110 = vector.broadcast %jit3A_108 : i32 to vector<16xi32>
      %select_n3A_111 = arith.select %lt3A_106, %broadcast_in_dim3A_109, %broadcast_in_dim3A_110 : vector<16xi1>, vector<16xi32>
      %jit3A_112 = arith.constant 4 : i32
      %broadcast_in_dim3A_113 = vector.broadcast %jit3A_112 : i32 to vector<16xi32>
      %select_n3A_114 = arith.select %gt3A_103, %broadcast_in_dim3A_113, %select_n3A_111 : vector<16xi1>, vector<16xi32>
      %abs3A_115 = math.absf %get3A_100 : vector<16xf32>
      %min3A_116 = arith.constant 7.000000e+00 : f32
      %min3A_117 = vector.broadcast %min3A_116 : f32 to vector<16xf32>
      %min3A_118 = arith.minimumf %abs3A_115, %min3A_117 : vector<16xf32>
      %convert_element_type3A_119 = arith.fptosi %min3A_118 : vector<16xf32> to vector<16xi32>
      %or3A_120 = arith.ori %select_n3A_114, %convert_element_type3A_119 : vector<16xi32>
      %mul3A_121 = arith.muli %or3A_120, %add3A_14 : vector<16xi32>
      %xor3A_122 = arith.xori %xor3A_97, %mul3A_121 : vector<16xi32>
      %get3A_123 = arith.index_cast %add3A_55 : i32 to index
      %get3A_124 = arith.constant 48 : index
      %get3A_125 = tpu.vector_load %arg6[%get3A_123, %get3A_124] {strides = array<i32>} : memref<256x128xf32, #tpu.memory_space<vmem>>, vector<16xf32>,
      %gt3A_126 = arith.constant 0.000000e+00 : f32
      %gt3A_127 = vector.broadcast %gt3A_126 : f32 to vector<16xf32>
      %gt3A_128 = arith.cmpf ogt, %get3A_125, %gt3A_127 : vector<16xf32>
      %lt3A_129 = arith.constant 0.000000e+00 : f32
      %lt3A_130 = vector.broadcast %lt3A_129 : f32 to vector<16xf32>
      %lt3A_131 = arith.cmpf olt, %get3A_125, %lt3A_130 : vector<16xf32>
      %jit3A_132 = arith.constant 12 : i32
      %jit3A_133 = arith.constant 0 : i32
      %broadcast_in_dim3A_134 = vector.broadcast %jit3A_132 : i32 to vector<16xi32>
      %broadcast_in_dim3A_135 = vector.broadcast %jit3A_133 : i32 to vector<16xi32>
      %select_n3A_136 = arith.select %lt3A_131, %broadcast_in_dim3A_134, %broadcast_in_dim3A_135 : vector<16xi1>, vector<16xi32>
      %jit3A_137 = arith.constant 4 : i32
      %broadcast_in_dim3A_138 = vector.broadcast %jit3A_137 : i32 to vector<16xi32>
      %select_n3A_139 = arith.select %gt3A_128, %broadcast_in_dim3A_138, %select_n3A_136 : vector<16xi1>, vector<16xi32>
      %abs3A_140 = math.absf %get3A_125 : vector<16xf32>
      %min3A_141 = arith.constant 7.000000e+00 : f32
      %min3A_142 = vector.broadcast %min3A_141 : f32 to vector<16xf32>
      %min3A_143 = arith.minimumf %abs3A_140, %min3A_142 : vector<16xf32>
      %convert_element_type3A_144 = arith.fptosi %min3A_143 : vector<16xf32> to vector<16xi32>
      %or3A_145 = arith.ori %select_n3A_139, %convert_element_type3A_144 : vector<16xi32>
      %mul3A_146 = arith.muli %or3A_145, %add3A_17 : vector<16xi32>
      %xor3A_147 = arith.xori %xor3A_122, %mul3A_146 : vector<16xi32>
      %mul3A_148 = arith.constant 16 : i32
      %mul3A_149 = arith.muli %add3A_55, %mul3A_148 : i32
      %swap3A = arith.index_cast %mul3A_149 : i32 to index
      %swap3A_150 = tpu.vector_load %arg10[%swap3A] {strides = array<i32>} : memref<4096xi32, #tpu.memory_space<vmem>>, vector<16xi32>,
      tpu.vector_store %arg10[%swap3A], %broadcast_in_dim3A_18 {strides = array<i32>} : memref<4096xi32, #tpu.memory_space<vmem>>, vector<16xi32>,
      %add3A_151 = vector.broadcast %add3A_55 : i32 to vector<16xi32>
      %add3A_152 = arith.addi %mul3A_5, %add3A_151 : vector<16xi32>
      tpu.vector_store_idx %arg7[%add3A_152], %xor3A_147 : memref<4112xi32, #tpu.memory_space<vmem>>[vector<16xi32>], vector<16xi32>,
      %mul3A_153 = arith.constant 8 : i32
      %mul3A_154 = arith.muli %while3A_51, %mul3A_153 : i32
      %add3A_155 = arith.constant 1 : i32
      %add3A_156 = arith.addi %mul3A_154, %add3A_155 : i32
      %broadcast_in_dim3A_157 = arith.constant 0 : i32
      %broadcast_in_dim3A_158 = vector.broadcast %broadcast_in_dim3A_157 : i32 to vector<16xi32>
      %get3A_159 = arith.index_cast %add3A_156 : i32 to index
      %get3A_160 = arith.constant 0 : index
      %get3A_161 = tpu.vector_load %arg6[%get3A_159, %get3A_160] {strides = array<i32>} : memref<256x128xf32, #tpu.memory_space<vmem>>, vector<16xf32>,
      %gt3A_162 = arith.constant 0.000000e+00 : f32
      %gt3A_163 = vector.broadcast %gt3A_162 : f32 to vector<16xf32>
      %gt3A_164 = arith.cmpf ogt, %get3A_161, %gt3A_163 : vector<16xf32>
      %lt3A_165 = arith.constant 0.000000e+00 : f32
      %lt3A_166 = vector.broadcast %lt3A_165 : f32 to vector<16xf32>
      %lt3A_167 = arith.cmpf olt, %get3A_161, %lt3A_166 : vector<16xf32>
      %jit3A_168 = arith.constant 12 : i32
      %jit3A_169 = arith.constant 0 : i32
      %broadcast_in_dim3A_170 = vector.broadcast %jit3A_168 : i32 to vector<16xi32>
      %broadcast_in_dim3A_171 = vector.broadcast %jit3A_169 : i32 to vector<16xi32>
      %select_n3A_172 = arith.select %lt3A_167, %broadcast_in_dim3A_170, %broadcast_in_dim3A_171 : vector<16xi1>, vector<16xi32>
      %jit3A_173 = arith.constant 4 : i32
      %broadcast_in_dim3A_174 = vector.broadcast %jit3A_173 : i32 to vector<16xi32>
      %select_n3A_175 = arith.select %gt3A_164, %broadcast_in_dim3A_174, %select_n3A_172 : vector<16xi1>, vector<16xi32>
      %abs3A_176 = math.absf %get3A_161 : vector<16xf32>
      %min3A_177 = arith.constant 7.000000e+00 : f32
      %min3A_178 = vector.broadcast %min3A_177 : f32 to vector<16xf32>
      %min3A_179 = arith.minimumf %abs3A_176, %min3A_178 : vector<16xf32>
      %convert_element_type3A_180 = arith.fptosi %min3A_179 : vector<16xf32> to vector<16xi32>
      %or3A_181 = arith.ori %select_n3A_175, %convert_element_type3A_180 : vector<16xi32>
      %mul3A_182 = arith.muli %or3A_181, %add3A_8 : vector<16xi32>
      %xor3A_183 = arith.xori %broadcast_in_dim3A_158, %mul3A_182 : vector<16xi32>
      %get3A_184 = arith.index_cast %add3A_156 : i32 to index
      %get3A_185 = arith.constant 16 : index
      %get3A_186 = tpu.vector_load %arg6[%get3A_184, %get3A_185] {strides = array<i32>} : memref<256x128xf32, #tpu.memory_space<vmem>>, vector<16xf32>,
      %gt3A_187 = arith.constant 0.000000e+00 : f32
      %gt3A_188 = vector.broadcast %gt3A_187 : f32 to vector<16xf32>
      %gt3A_189 = arith.cmpf ogt, %get3A_186, %gt3A_188 : vector<16xf32>
      %lt3A_190 = arith.constant 0.000000e+00 : f32
      %lt3A_191 = vector.broadcast %lt3A_190 : f32 to vector<16xf32>
      %lt3A_192 = arith.cmpf olt, %get3A_186, %lt3A_191 : vector<16xf32>
      %jit3A_193 = arith.constant 12 : i32
      %jit3A_194 = arith.constant 0 : i32
      %broadcast_in_dim3A_195 = vector.broadcast %jit3A_193 : i32 to vector<16xi32>
      %broadcast_in_dim3A_196 = vector.broadcast %jit3A_194 : i32 to vector<16xi32>
      %select_n3A_197 = arith.select %lt3A_192, %broadcast_in_dim3A_195, %broadcast_in_dim3A_196 : vector<16xi1>, vector<16xi32>
      %jit3A_198 = arith.constant 4 : i32
      %broadcast_in_dim3A_199 = vector.broadcast %jit3A_198 : i32 to vector<16xi32>
      %select_n3A_200 = arith.select %gt3A_189, %broadcast_in_dim3A_199, %select_n3A_197 : vector<16xi1>, vector<16xi32>
      %abs3A_201 = math.absf %get3A_186 : vector<16xf32>
      %min3A_202 = arith.constant 7.000000e+00 : f32
      %min3A_203 = vector.broadcast %min3A_202 : f32 to vector<16xf32>
      %min3A_204 = arith.minimumf %abs3A_201, %min3A_203 : vector<16xf32>
      %convert_element_type3A_205 = arith.fptosi %min3A_204 : vector<16xf32> to vector<16xi32>
      %or3A_206 = arith.ori %select_n3A_200, %convert_element_type3A_205 : vector<16xi32>
      %mul3A_207 = arith.muli %or3A_206, %add3A_11 : vector<16xi32>
      %xor3A_208 = arith.xori %xor3A_183, %mul3A_207 : vector<16xi32>
      %get3A_209 = arith.index_cast %add3A_156 : i32 to index
      %get3A_210 = arith.constant 32 : index
      %get3A_211 = tpu.vector_load %arg6[%get3A_209, %get3A_210] {strides = array<i32>} : memref<256x128xf32, #tpu.memory_space<vmem>>, vector<16xf32>,
      %gt3A_212 = arith.constant 0.000000e+00 : f32
      %gt3A_213 = vector.broadcast %gt3A_212 : f32 to vector<16xf32>
      %gt3A_214 = arith.cmpf ogt, %get3A_211, %gt3A_213 : vector<16xf32>
      %lt3A_215 = arith.constant 0.000000e+00 : f32
      %lt3A_216 = vector.broadcast %lt3A_215 : f32 to vector<16xf32>
      %lt3A_217 = arith.cmpf olt, %get3A_211, %lt3A_216 : vector<16xf32>
      %jit3A_218 = arith.constant 12 : i32
      %jit3A_219 = arith.constant 0 : i32
      %broadcast_in_dim3A_220 = vector.broadcast %jit3A_218 : i32 to vector<16xi32>
      %broadcast_in_dim3A_221 = vector.broadcast %jit3A_219 : i32 to vector<16xi32>
      %select_n3A_222 = arith.select %lt3A_217, %broadcast_in_dim3A_220, %broadcast_in_dim3A_221 : vector<16xi1>, vector<16xi32>
      %jit3A_223 = arith.constant 4 : i32
      %broadcast_in_dim3A_224 = vector.broadcast %jit3A_223 : i32 to vector<16xi32>
      %select_n3A_225 = arith.select %gt3A_214, %broadcast_in_dim3A_224, %select_n3A_222 : vector<16xi1>, vector<16xi32>
      %abs3A_226 = math.absf %get3A_211 : vector<16xf32>
      %min3A_227 = arith.constant 7.000000e+00 : f32
      %min3A_228 = vector.broadcast %min3A_227 : f32 to vector<16xf32>
      %min3A_229 = arith.minimumf %abs3A_226, %min3A_228 : vector<16xf32>
      %convert_element_type3A_230 = arith.fptosi %min3A_229 : vector<16xf32> to vector<16xi32>
      %or3A_231 = arith.ori %select_n3A_225, %convert_element_type3A_230 : vector<16xi32>
      %mul3A_232 = arith.muli %or3A_231, %add3A_14 : vector<16xi32>
      %xor3A_233 = arith.xori %xor3A_208, %mul3A_232 : vector<16xi32>
      %get3A_234 = arith.index_cast %add3A_156 : i32 to index
      %get3A_235 = arith.constant 48 : index
      %get3A_236 = tpu.vector_load %arg6[%get3A_234, %get3A_235] {strides = array<i32>} : memref<256x128xf32, #tpu.memory_space<vmem>>, vector<16xf32>,
      %gt3A_237 = arith.constant 0.000000e+00 : f32
      %gt3A_238 = vector.broadcast %gt3A_237 : f32 to vector<16xf32>
      %gt3A_239 = arith.cmpf ogt, %get3A_236, %gt3A_238 : vector<16xf32>
      %lt3A_240 = arith.constant 0.000000e+00 : f32
      %lt3A_241 = vector.broadcast %lt3A_240 : f32 to vector<16xf32>
      %lt3A_242 = arith.cmpf olt, %get3A_236, %lt3A_241 : vector<16xf32>
      %jit3A_243 = arith.constant 12 : i32
      %jit3A_244 = arith.constant 0 : i32
      %broadcast_in_dim3A_245 = vector.broadcast %jit3A_243 : i32 to vector<16xi32>
      %broadcast_in_dim3A_246 = vector.broadcast %jit3A_244 : i32 to vector<16xi32>
      %select_n3A_247 = arith.select %lt3A_242, %broadcast_in_dim3A_245, %broadcast_in_dim3A_246 : vector<16xi1>, vector<16xi32>
      %jit3A_248 = arith.constant 4 : i32
      %broadcast_in_dim3A_249 = vector.broadcast %jit3A_248 : i32 to vector<16xi32>
      %select_n3A_250 = arith.select %gt3A_239, %broadcast_in_dim3A_249, %select_n3A_247 : vector<16xi1>, vector<16xi32>
      %abs3A_251 = math.absf %get3A_236 : vector<16xf32>
      %min3A_252 = arith.constant 7.000000e+00 : f32
      %min3A_253 = vector.broadcast %min3A_252 : f32 to vector<16xf32>
      %min3A_254 = arith.minimumf %abs3A_251, %min3A_253 : vector<16xf32>
      %convert_element_type3A_255 = arith.fptosi %min3A_254 : vector<16xf32> to vector<16xi32>
      %or3A_256 = arith.ori %select_n3A_250, %convert_element_type3A_255 : vector<16xi32>
      %mul3A_257 = arith.muli %or3A_256, %add3A_17 : vector<16xi32>
      %xor3A_258 = arith.xori %xor3A_233, %mul3A_257 : vector<16xi32>
      %mul3A_259 = arith.constant 16 : i32
      %mul3A_260 = arith.muli %add3A_156, %mul3A_259 : i32
      %swap3A_261 = arith.index_cast %mul3A_260 : i32 to index
      %swap3A_262 = tpu.vector_load %arg10[%swap3A_261] {strides = array<i32>} : memref<4096xi32, #tpu.memory_space<vmem>>, vector<16xi32>,
      tpu.vector_store %arg10[%swap3A_261], %broadcast_in_dim3A_18 {strides = array<i32>} : memref<4096xi32, #tpu.memory_space<vmem>>, vector<16xi32>,
      %add3A_263 = vector.broadcast %add3A_156 : i32 to vector<16xi32>
      %add3A_264 = arith.addi %mul3A_5, %add3A_263 : vector<16xi32>
      tpu.vector_store_idx %arg7[%add3A_264], %xor3A_258 : memref<4112xi32, #tpu.memory_space<vmem>>[vector<16xi32>], vector<16xi32>,
      %mul3A_265 = arith.constant 8 : i32
      %mul3A_266 = arith.muli %while3A_51, %mul3A_265 : i32
      %add3A_267 = arith.constant 2 : i32
      %add3A_268 = arith.addi %mul3A_266, %add3A_267 : i32
      %broadcast_in_dim3A_269 = arith.constant 0 : i32
      %broadcast_in_dim3A_270 = vector.broadcast %broadcast_in_dim3A_269 : i32 to vector<16xi32>
      %get3A_271 = arith.index_cast %add3A_268 : i32 to index
      %get3A_272 = arith.constant 0 : index
      %get3A_273 = tpu.vector_load %arg6[%get3A_271, %get3A_272] {strides = array<i32>} : memref<256x128xf32, #tpu.memory_space<vmem>>, vector<16xf32>,
      %gt3A_274 = arith.constant 0.000000e+00 : f32
      %gt3A_275 = vector.broadcast %gt3A_274 : f32 to vector<16xf32>
      %gt3A_276 = arith.cmpf ogt, %get3A_273, %gt3A_275 : vector<16xf32>
      %lt3A_277 = arith.constant 0.000000e+00 : f32
      %lt3A_278 = vector.broadcast %lt3A_277 : f32 to vector<16xf32>
      %lt3A_279 = arith.cmpf olt, %get3A_273, %lt3A_278 : vector<16xf32>
      %jit3A_280 = arith.constant 12 : i32
      %jit3A_281 = arith.constant 0 : i32
      %broadcast_in_dim3A_282 = vector.broadcast %jit3A_280 : i32 to vector<16xi32>
      %broadcast_in_dim3A_283 = vector.broadcast %jit3A_281 : i32 to vector<16xi32>
      %select_n3A_284 = arith.select %lt3A_279, %broadcast_in_dim3A_282, %broadcast_in_dim3A_283 : vector<16xi1>, vector<16xi32>
      %jit3A_285 = arith.constant 4 : i32
      %broadcast_in_dim3A_286 = vector.broadcast %jit3A_285 : i32 to vector<16xi32>
      %select_n3A_287 = arith.select %gt3A_276, %broadcast_in_dim3A_286, %select_n3A_284 : vector<16xi1>, vector<16xi32>
      %abs3A_288 = math.absf %get3A_273 : vector<16xf32>
      %min3A_289 = arith.constant 7.000000e+00 : f32
      %min3A_290 = vector.broadcast %min3A_289 : f32 to vector<16xf32>
      %min3A_291 = arith.minimumf %abs3A_288, %min3A_290 : vector<16xf32>
      %convert_element_type3A_292 = arith.fptosi %min3A_291 : vector<16xf32> to vector<16xi32>
      %or3A_293 = arith.ori %select_n3A_287, %convert_element_type3A_292 : vector<16xi32>
      %mul3A_294 = arith.muli %or3A_293, %add3A_8 : vector<16xi32>
      %xor3A_295 = arith.xori %broadcast_in_dim3A_270, %mul3A_294 : vector<16xi32>
      %get3A_296 = arith.index_cast %add3A_268 : i32 to index
      %get3A_297 = arith.constant 16 : index
      %get3A_298 = tpu.vector_load %arg6[%get3A_296, %get3A_297] {strides = array<i32>} : memref<256x128xf32, #tpu.memory_space<vmem>>, vector<16xf32>,
      %gt3A_299 = arith.constant 0.000000e+00 : f32
      %gt3A_300 = vector.broadcast %gt3A_299 : f32 to vector<16xf32>
      %gt3A_301 = arith.cmpf ogt, %get3A_298, %gt3A_300 : vector<16xf32>
      %lt3A_302 = arith.constant 0.000000e+00 : f32
      %lt3A_303 = vector.broadcast %lt3A_302 : f32 to vector<16xf32>
      %lt3A_304 = arith.cmpf olt, %get3A_298, %lt3A_303 : vector<16xf32>
      %jit3A_305 = arith.constant 12 : i32
      %jit3A_306 = arith.constant 0 : i32
      %broadcast_in_dim3A_307 = vector.broadcast %jit3A_305 : i32 to vector<16xi32>
      %broadcast_in_dim3A_308 = vector.broadcast %jit3A_306 : i32 to vector<16xi32>
      %select_n3A_309 = arith.select %lt3A_304, %broadcast_in_dim3A_307, %broadcast_in_dim3A_308 : vector<16xi1>, vector<16xi32>
      %jit3A_310 = arith.constant 4 : i32
      %broadcast_in_dim3A_311 = vector.broadcast %jit3A_310 : i32 to vector<16xi32>
      %select_n3A_312 = arith.select %gt3A_301, %broadcast_in_dim3A_311, %select_n3A_309 : vector<16xi1>, vector<16xi32>
      %abs3A_313 = math.absf %get3A_298 : vector<16xf32>
      %min3A_314 = arith.constant 7.000000e+00 : f32
      %min3A_315 = vector.broadcast %min3A_314 : f32 to vector<16xf32>
      %min3A_316 = arith.minimumf %abs3A_313, %min3A_315 : vector<16xf32>
      %convert_element_type3A_317 = arith.fptosi %min3A_316 : vector<16xf32> to vector<16xi32>
      %or3A_318 = arith.ori %select_n3A_312, %convert_element_type3A_317 : vector<16xi32>
      %mul3A_319 = arith.muli %or3A_318, %add3A_11 : vector<16xi32>
      %xor3A_320 = arith.xori %xor3A_295, %mul3A_319 : vector<16xi32>
      %get3A_321 = arith.index_cast %add3A_268 : i32 to index
      %get3A_322 = arith.constant 32 : index
      %get3A_323 = tpu.vector_load %arg6[%get3A_321, %get3A_322] {strides = array<i32>} : memref<256x128xf32, #tpu.memory_space<vmem>>, vector<16xf32>,
      %gt3A_324 = arith.constant 0.000000e+00 : f32
      %gt3A_325 = vector.broadcast %gt3A_324 : f32 to vector<16xf32>
      %gt3A_326 = arith.cmpf ogt, %get3A_323, %gt3A_325 : vector<16xf32>
      %lt3A_327 = arith.constant 0.000000e+00 : f32
      %lt3A_328 = vector.broadcast %lt3A_327 : f32 to vector<16xf32>
      %lt3A_329 = arith.cmpf olt, %get3A_323, %lt3A_328 : vector<16xf32>
      %jit3A_330 = arith.constant 12 : i32
      %jit3A_331 = arith.constant 0 : i32
      %broadcast_in_dim3A_332 = vector.broadcast %jit3A_330 : i32 to vector<16xi32>
      %broadcast_in_dim3A_333 = vector.broadcast %jit3A_331 : i32 to vector<16xi32>
      %select_n3A_334 = arith.select %lt3A_329, %broadcast_in_dim3A_332, %broadcast_in_dim3A_333 : vector<16xi1>, vector<16xi32>
      %jit3A_335 = arith.constant 4 : i32
      %broadcast_in_dim3A_336 = vector.broadcast %jit3A_335 : i32 to vector<16xi32>
      %select_n3A_337 = arith.select %gt3A_326, %broadcast_in_dim3A_336, %select_n3A_334 : vector<16xi1>, vector<16xi32>
      %abs3A_338 = math.absf %get3A_323 : vector<16xf32>
      %min3A_339 = arith.constant 7.000000e+00 : f32
      %min3A_340 = vector.broadcast %min3A_339 : f32 to vector<16xf32>
      %min3A_341 = arith.minimumf %abs3A_338, %min3A_340 : vector<16xf32>
      %convert_element_type3A_342 = arith.fptosi %min3A_341 : vector<16xf32> to vector<16xi32>
      %or3A_343 = arith.ori %select_n3A_337, %convert_element_type3A_342 : vector<16xi32>
      %mul3A_344 = arith.muli %or3A_343, %add3A_14 : vector<16xi32>
      %xor3A_345 = arith.xori %xor3A_320, %mul3A_344 : vector<16xi32>
      %get3A_346 = arith.index_cast %add3A_268 : i32 to index
      %get3A_347 = arith.constant 48 : index
      %get3A_348 = tpu.vector_load %arg6[%get3A_346, %get3A_347] {strides = array<i32>} : memref<256x128xf32, #tpu.memory_space<vmem>>, vector<16xf32>,
      %gt3A_349 = arith.constant 0.000000e+00 : f32
      %gt3A_350 = vector.broadcast %gt3A_349 : f32 to vector<16xf32>
      %gt3A_351 = arith.cmpf ogt, %get3A_348, %gt3A_350 : vector<16xf32>
      %lt3A_352 = arith.constant 0.000000e+00 : f32
      %lt3A_353 = vector.broadcast %lt3A_352 : f32 to vector<16xf32>
      %lt3A_354 = arith.cmpf olt, %get3A_348, %lt3A_353 : vector<16xf32>
      %jit3A_355 = arith.constant 12 : i32
      %jit3A_356 = arith.constant 0 : i32
      %broadcast_in_dim3A_357 = vector.broadcast %jit3A_355 : i32 to vector<16xi32>
      %broadcast_in_dim3A_358 = vector.broadcast %jit3A_356 : i32 to vector<16xi32>
      %select_n3A_359 = arith.select %lt3A_354, %broadcast_in_dim3A_357, %broadcast_in_dim3A_358 : vector<16xi1>, vector<16xi32>
      %jit3A_360 = arith.constant 4 : i32
      %broadcast_in_dim3A_361 = vector.broadcast %jit3A_360 : i32 to vector<16xi32>
      %select_n3A_362 = arith.select %gt3A_351, %broadcast_in_dim3A_361, %select_n3A_359 : vector<16xi1>, vector<16xi32>
      %abs3A_363 = math.absf %get3A_348 : vector<16xf32>
      %min3A_364 = arith.constant 7.000000e+00 : f32
      %min3A_365 = vector.broadcast %min3A_364 : f32 to vector<16xf32>
      %min3A_366 = arith.minimumf %abs3A_363, %min3A_365 : vector<16xf32>
      %convert_element_type3A_367 = arith.fptosi %min3A_366 : vector<16xf32> to vector<16xi32>
      %or3A_368 = arith.ori %select_n3A_362, %convert_element_type3A_367 : vector<16xi32>
      %mul3A_369 = arith.muli %or3A_368, %add3A_17 : vector<16xi32>
      %xor3A_370 = arith.xori %xor3A_345, %mul3A_369 : vector<16xi32>
      %mul3A_371 = arith.constant 16 : i32
      %mul3A_372 = arith.muli %add3A_268, %mul3A_371 : i32
      %swap3A_373 = arith.index_cast %mul3A_372 : i32 to index
      %swap3A_374 = tpu.vector_load %arg10[%swap3A_373] {strides = array<i32>} : memref<4096xi32, #tpu.memory_space<vmem>>, vector<16xi32>,
      tpu.vector_store %arg10[%swap3A_373], %broadcast_in_dim3A_18 {strides = array<i32>} : memref<4096xi32, #tpu.memory_space<vmem>>, vector<16xi32>,
      %add3A_375 = vector.broadcast %add3A_268 : i32 to vector<16xi32>
      %add3A_376 = arith.addi %mul3A_5, %add3A_375 : vector<16xi32>
      tpu.vector_store_idx %arg7[%add3A_376], %xor3A_370 : memref<4112xi32, #tpu.memory_space<vmem>>[vector<16xi32>], vector<16xi32>,
      %mul3A_377 = arith.constant 8 : i32
      %mul3A_378 = arith.muli %while3A_51, %mul3A_377 : i32
      %add3A_379 = arith.constant 3 : i32
      %add3A_380 = arith.addi %mul3A_378, %add3A_379 : i32
      %broadcast_in_dim3A_381 = arith.constant 0 : i32
      %broadcast_in_dim3A_382 = vector.broadcast %broadcast_in_dim3A_381 : i32 to vector<16xi32>
      %get3A_383 = arith.index_cast %add3A_380 : i32 to index
      %get3A_384 = arith.constant 0 : index
      %get3A_385 = tpu.vector_load %arg6[%get3A_383, %get3A_384] {strides = array<i32>} : memref<256x128xf32, #tpu.memory_space<vmem>>, vector<16xf32>,
      %gt3A_386 = arith.constant 0.000000e+00 : f32
      %gt3A_387 = vector.broadcast %gt3A_386 : f32 to vector<16xf32>
      %gt3A_388 = arith.cmpf ogt, %get3A_385, %gt3A_387 : vector<16xf32>
      %lt3A_389 = arith.constant 0.000000e+00 : f32
      %lt3A_390 = vector.broadcast %lt3A_389 : f32 to vector<16xf32>
      %lt3A_391 = arith.cmpf olt, %get3A_385, %lt3A_390 : vector<16xf32>
      %jit3A_392 = arith.constant 12 : i32
      %jit3A_393 = arith.constant 0 : i32
      %broadcast_in_dim3A_394 = vector.broadcast %jit3A_392 : i32 to vector<16xi32>
      %broadcast_in_dim3A_395 = vector.broadcast %jit3A_393 : i32 to vector<16xi32>
      %select_n3A_396 = arith.select %lt3A_391, %broadcast_in_dim3A_394, %broadcast_in_dim3A_395 : vector<16xi1>, vector<16xi32>
      %jit3A_397 = arith.constant 4 : i32
      %broadcast_in_dim3A_398 = vector.broadcast %jit3A_397 : i32 to vector<16xi32>
      %select_n3A_399 = arith.select %gt3A_388, %broadcast_in_dim3A_398, %select_n3A_396 : vector<16xi1>, vector<16xi32>
      %abs3A_400 = math.absf %get3A_385 : vector<16xf32>
      %min3A_401 = arith.constant 7.000000e+00 : f32
      %min3A_402 = vector.broadcast %min3A_401 : f32 to vector<16xf32>
      %min3A_403 = arith.minimumf %abs3A_400, %min3A_402 : vector<16xf32>
      %convert_element_type3A_404 = arith.fptosi %min3A_403 : vector<16xf32> to vector<16xi32>
      %or3A_405 = arith.ori %select_n3A_399, %convert_element_type3A_404 : vector<16xi32>
      %mul3A_406 = arith.muli %or3A_405, %add3A_8 : vector<16xi32>
      %xor3A_407 = arith.xori %broadcast_in_dim3A_382, %mul3A_406 : vector<16xi32>
      %get3A_408 = arith.index_cast %add3A_380 : i32 to index
      %get3A_409 = arith.constant 16 : index
      %get3A_410 = tpu.vector_load %arg6[%get3A_408, %get3A_409] {strides = array<i32>} : memref<256x128xf32, #tpu.memory_space<vmem>>, vector<16xf32>,
      %gt3A_411 = arith.constant 0.000000e+00 : f32
      %gt3A_412 = vector.broadcast %gt3A_411 : f32 to vector<16xf32>
      %gt3A_413 = arith.cmpf ogt, %get3A_410, %gt3A_412 : vector<16xf32>
      %lt3A_414 = arith.constant 0.000000e+00 : f32
      %lt3A_415 = vector.broadcast %lt3A_414 : f32 to vector<16xf32>
      %lt3A_416 = arith.cmpf olt, %get3A_410, %lt3A_415 : vector<16xf32>
      %jit3A_417 = arith.constant 12 : i32
      %jit3A_418 = arith.constant 0 : i32
      %broadcast_in_dim3A_419 = vector.broadcast %jit3A_417 : i32 to vector<16xi32>
      %broadcast_in_dim3A_420 = vector.broadcast %jit3A_418 : i32 to vector<16xi32>
      %select_n3A_421 = arith.select %lt3A_416, %broadcast_in_dim3A_419, %broadcast_in_dim3A_420 : vector<16xi1>, vector<16xi32>
      %jit3A_422 = arith.constant 4 : i32
      %broadcast_in_dim3A_423 = vector.broadcast %jit3A_422 : i32 to vector<16xi32>
      %select_n3A_424 = arith.select %gt3A_413, %broadcast_in_dim3A_423, %select_n3A_421 : vector<16xi1>, vector<16xi32>
      %abs3A_425 = math.absf %get3A_410 : vector<16xf32>
      %min3A_426 = arith.constant 7.000000e+00 : f32
      %min3A_427 = vector.broadcast %min3A_426 : f32 to vector<16xf32>
      %min3A_428 = arith.minimumf %abs3A_425, %min3A_427 : vector<16xf32>
      %convert_element_type3A_429 = arith.fptosi %min3A_428 : vector<16xf32> to vector<16xi32>
      %or3A_430 = arith.ori %select_n3A_424, %convert_element_type3A_429 : vector<16xi32>
      %mul3A_431 = arith.muli %or3A_430, %add3A_11 : vector<16xi32>
      %xor3A_432 = arith.xori %xor3A_407, %mul3A_431 : vector<16xi32>
      %get3A_433 = arith.index_cast %add3A_380 : i32 to index
      %get3A_434 = arith.constant 32 : index
      %get3A_435 = tpu.vector_load %arg6[%get3A_433, %get3A_434] {strides = array<i32>} : memref<256x128xf32, #tpu.memory_space<vmem>>, vector<16xf32>,
      %gt3A_436 = arith.constant 0.000000e+00 : f32
      %gt3A_437 = vector.broadcast %gt3A_436 : f32 to vector<16xf32>
      %gt3A_438 = arith.cmpf ogt, %get3A_435, %gt3A_437 : vector<16xf32>
      %lt3A_439 = arith.constant 0.000000e+00 : f32
      %lt3A_440 = vector.broadcast %lt3A_439 : f32 to vector<16xf32>
      %lt3A_441 = arith.cmpf olt, %get3A_435, %lt3A_440 : vector<16xf32>
      %jit3A_442 = arith.constant 12 : i32
      %jit3A_443 = arith.constant 0 : i32
      %broadcast_in_dim3A_444 = vector.broadcast %jit3A_442 : i32 to vector<16xi32>
      %broadcast_in_dim3A_445 = vector.broadcast %jit3A_443 : i32 to vector<16xi32>
      %select_n3A_446 = arith.select %lt3A_441, %broadcast_in_dim3A_444, %broadcast_in_dim3A_445 : vector<16xi1>, vector<16xi32>
      %jit3A_447 = arith.constant 4 : i32
      %broadcast_in_dim3A_448 = vector.broadcast %jit3A_447 : i32 to vector<16xi32>
      %select_n3A_449 = arith.select %gt3A_438, %broadcast_in_dim3A_448, %select_n3A_446 : vector<16xi1>, vector<16xi32>
      %abs3A_450 = math.absf %get3A_435 : vector<16xf32>
      %min3A_451 = arith.constant 7.000000e+00 : f32
      %min3A_452 = vector.broadcast %min3A_451 : f32 to vector<16xf32>
      %min3A_453 = arith.minimumf %abs3A_450, %min3A_452 : vector<16xf32>
      %convert_element_type3A_454 = arith.fptosi %min3A_453 : vector<16xf32> to vector<16xi32>
      %or3A_455 = arith.ori %select_n3A_449, %convert_element_type3A_454 : vector<16xi32>
      %mul3A_456 = arith.muli %or3A_455, %add3A_14 : vector<16xi32>
      %xor3A_457 = arith.xori %xor3A_432, %mul3A_456 : vector<16xi32>
      %get3A_458 = arith.index_cast %add3A_380 : i32 to index
      %get3A_459 = arith.constant 48 : index
      %get3A_460 = tpu.vector_load %arg6[%get3A_458, %get3A_459] {strides = array<i32>} : memref<256x128xf32, #tpu.memory_space<vmem>>, vector<16xf32>,
      %gt3A_461 = arith.constant 0.000000e+00 : f32
      %gt3A_462 = vector.broadcast %gt3A_461 : f32 to vector<16xf32>
      %gt3A_463 = arith.cmpf ogt, %get3A_460, %gt3A_462 : vector<16xf32>
      %lt3A_464 = arith.constant 0.000000e+00 : f32
      %lt3A_465 = vector.broadcast %lt3A_464 : f32 to vector<16xf32>
      %lt3A_466 = arith.cmpf olt, %get3A_460, %lt3A_465 : vector<16xf32>
      %jit3A_467 = arith.constant 12 : i32
      %jit3A_468 = arith.constant 0 : i32
      %broadcast_in_dim3A_469 = vector.broadcast %jit3A_467 : i32 to vector<16xi32>
      %broadcast_in_dim3A_470 = vector.broadcast %jit3A_468 : i32 to vector<16xi32>
      %select_n3A_471 = arith.select %lt3A_466, %broadcast_in_dim3A_469, %broadcast_in_dim3A_470 : vector<16xi1>, vector<16xi32>
      %jit3A_472 = arith.constant 4 : i32
      %broadcast_in_dim3A_473 = vector.broadcast %jit3A_472 : i32 to vector<16xi32>
      %select_n3A_474 = arith.select %gt3A_463, %broadcast_in_dim3A_473, %select_n3A_471 : vector<16xi1>, vector<16xi32>
      %abs3A_475 = math.absf %get3A_460 : vector<16xf32>
      %min3A_476 = arith.constant 7.000000e+00 : f32
      %min3A_477 = vector.broadcast %min3A_476 : f32 to vector<16xf32>
      %min3A_478 = arith.minimumf %abs3A_475, %min3A_477 : vector<16xf32>
      %convert_element_type3A_479 = arith.fptosi %min3A_478 : vector<16xf32> to vector<16xi32>
      %or3A_480 = arith.ori %select_n3A_474, %convert_element_type3A_479 : vector<16xi32>
      %mul3A_481 = arith.muli %or3A_480, %add3A_17 : vector<16xi32>
      %xor3A_482 = arith.xori %xor3A_457, %mul3A_481 : vector<16xi32>
      %mul3A_483 = arith.constant 16 : i32
      %mul3A_484 = arith.muli %add3A_380, %mul3A_483 : i32
      %swap3A_485 = arith.index_cast %mul3A_484 : i32 to index
      %swap3A_486 = tpu.vector_load %arg10[%swap3A_485] {strides = array<i32>} : memref<4096xi32, #tpu.memory_space<vmem>>, vector<16xi32>,
      tpu.vector_store %arg10[%swap3A_485], %broadcast_in_dim3A_18 {strides = array<i32>} : memref<4096xi32, #tpu.memory_space<vmem>>, vector<16xi32>,
      %add3A_487 = vector.broadcast %add3A_380 : i32 to vector<16xi32>
      %add3A_488 = arith.addi %mul3A_5, %add3A_487 : vector<16xi32>
      tpu.vector_store_idx %arg7[%add3A_488], %xor3A_482 : memref<4112xi32, #tpu.memory_space<vmem>>[vector<16xi32>], vector<16xi32>,
      %mul3A_489 = arith.constant 8 : i32
      %mul3A_490 = arith.muli %while3A_51, %mul3A_489 : i32
      %add3A_491 = arith.constant 4 : i32
      %add3A_492 = arith.addi %mul3A_490, %add3A_491 : i32
      %broadcast_in_dim3A_493 = arith.constant 0 : i32
      %broadcast_in_dim3A_494 = vector.broadcast %broadcast_in_dim3A_493 : i32 to vector<16xi32>
      %get3A_495 = arith.index_cast %add3A_492 : i32 to index
      %get3A_496 = arith.constant 0 : index
      %get3A_497 = tpu.vector_load %arg6[%get3A_495, %get3A_496] {strides = array<i32>} : memref<256x128xf32, #tpu.memory_space<vmem>>, vector<16xf32>,
      %gt3A_498 = arith.constant 0.000000e+00 : f32
      %gt3A_499 = vector.broadcast %gt3A_498 : f32 to vector<16xf32>
      %gt3A_500 = arith.cmpf ogt, %get3A_497, %gt3A_499 : vector<16xf32>
      %lt3A_501 = arith.constant 0.000000e+00 : f32
      %lt3A_502 = vector.broadcast %lt3A_501 : f32 to vector<16xf32>
      %lt3A_503 = arith.cmpf olt, %get3A_497, %lt3A_502 : vector<16xf32>
      %jit3A_504 = arith.constant 12 : i32
      %jit3A_505 = arith.constant 0 : i32
      %broadcast_in_dim3A_506 = vector.broadcast %jit3A_504 : i32 to vector<16xi32>
      %broadcast_in_dim3A_507 = vector.broadcast %jit3A_505 : i32 to vector<16xi32>
      %select_n3A_508 = arith.select %lt3A_503, %broadcast_in_dim3A_506, %broadcast_in_dim3A_507 : vector<16xi1>, vector<16xi32>
      %jit3A_509 = arith.constant 4 : i32
      %broadcast_in_dim3A_510 = vector.broadcast %jit3A_509 : i32 to vector<16xi32>
      %select_n3A_511 = arith.select %gt3A_500, %broadcast_in_dim3A_510, %select_n3A_508 : vector<16xi1>, vector<16xi32>
      %abs3A_512 = math.absf %get3A_497 : vector<16xf32>
      %min3A_513 = arith.constant 7.000000e+00 : f32
      %min3A_514 = vector.broadcast %min3A_513 : f32 to vector<16xf32>
      %min3A_515 = arith.minimumf %abs3A_512, %min3A_514 : vector<16xf32>
      %convert_element_type3A_516 = arith.fptosi %min3A_515 : vector<16xf32> to vector<16xi32>
      %or3A_517 = arith.ori %select_n3A_511, %convert_element_type3A_516 : vector<16xi32>
      %mul3A_518 = arith.muli %or3A_517, %add3A_8 : vector<16xi32>
      %xor3A_519 = arith.xori %broadcast_in_dim3A_494, %mul3A_518 : vector<16xi32>
      %get3A_520 = arith.index_cast %add3A_492 : i32 to index
      %get3A_521 = arith.constant 16 : index
      %get3A_522 = tpu.vector_load %arg6[%get3A_520, %get3A_521] {strides = array<i32>} : memref<256x128xf32, #tpu.memory_space<vmem>>, vector<16xf32>,
      %gt3A_523 = arith.constant 0.000000e+00 : f32
      %gt3A_524 = vector.broadcast %gt3A_523 : f32 to vector<16xf32>
      %gt3A_525 = arith.cmpf ogt, %get3A_522, %gt3A_524 : vector<16xf32>
      %lt3A_526 = arith.constant 0.000000e+00 : f32
      %lt3A_527 = vector.broadcast %lt3A_526 : f32 to vector<16xf32>
      %lt3A_528 = arith.cmpf olt, %get3A_522, %lt3A_527 : vector<16xf32>
      %jit3A_529 = arith.constant 12 : i32
      %jit3A_530 = arith.constant 0 : i32
      %broadcast_in_dim3A_531 = vector.broadcast %jit3A_529 : i32 to vector<16xi32>
      %broadcast_in_dim3A_532 = vector.broadcast %jit3A_530 : i32 to vector<16xi32>
      %select_n3A_533 = arith.select %lt3A_528, %broadcast_in_dim3A_531, %broadcast_in_dim3A_532 : vector<16xi1>, vector<16xi32>
      %jit3A_534 = arith.constant 4 : i32
      %broadcast_in_dim3A_535 = vector.broadcast %jit3A_534 : i32 to vector<16xi32>
      %select_n3A_536 = arith.select %gt3A_525, %broadcast_in_dim3A_535, %select_n3A_533 : vector<16xi1>, vector<16xi32>
      %abs3A_537 = math.absf %get3A_522 : vector<16xf32>
      %min3A_538 = arith.constant 7.000000e+00 : f32
      %min3A_539 = vector.broadcast %min3A_538 : f32 to vector<16xf32>
      %min3A_540 = arith.minimumf %abs3A_537, %min3A_539 : vector<16xf32>
      %convert_element_type3A_541 = arith.fptosi %min3A_540 : vector<16xf32> to vector<16xi32>
      %or3A_542 = arith.ori %select_n3A_536, %convert_element_type3A_541 : vector<16xi32>
      %mul3A_543 = arith.muli %or3A_542, %add3A_11 : vector<16xi32>
      %xor3A_544 = arith.xori %xor3A_519, %mul3A_543 : vector<16xi32>
      %get3A_545 = arith.index_cast %add3A_492 : i32 to index
      %get3A_546 = arith.constant 32 : index
      %get3A_547 = tpu.vector_load %arg6[%get3A_545, %get3A_546] {strides = array<i32>} : memref<256x128xf32, #tpu.memory_space<vmem>>, vector<16xf32>,
      %gt3A_548 = arith.constant 0.000000e+00 : f32
      %gt3A_549 = vector.broadcast %gt3A_548 : f32 to vector<16xf32>
      %gt3A_550 = arith.cmpf ogt, %get3A_547, %gt3A_549 : vector<16xf32>
      %lt3A_551 = arith.constant 0.000000e+00 : f32
      %lt3A_552 = vector.broadcast %lt3A_551 : f32 to vector<16xf32>
      %lt3A_553 = arith.cmpf olt, %get3A_547, %lt3A_552 : vector<16xf32>
      %jit3A_554 = arith.constant 12 : i32
      %jit3A_555 = arith.constant 0 : i32
      %broadcast_in_dim3A_556 = vector.broadcast %jit3A_554 : i32 to vector<16xi32>
      %broadcast_in_dim3A_557 = vector.broadcast %jit3A_555 : i32 to vector<16xi32>
      %select_n3A_558 = arith.select %lt3A_553, %broadcast_in_dim3A_556, %broadcast_in_dim3A_557 : vector<16xi1>, vector<16xi32>
      %jit3A_559 = arith.constant 4 : i32
      %broadcast_in_dim3A_560 = vector.broadcast %jit3A_559 : i32 to vector<16xi32>
      %select_n3A_561 = arith.select %gt3A_550, %broadcast_in_dim3A_560, %select_n3A_558 : vector<16xi1>, vector<16xi32>
      %abs3A_562 = math.absf %get3A_547 : vector<16xf32>
      %min3A_563 = arith.constant 7.000000e+00 : f32
      %min3A_564 = vector.broadcast %min3A_563 : f32 to vector<16xf32>
      %min3A_565 = arith.minimumf %abs3A_562, %min3A_564 : vector<16xf32>
      %convert_element_type3A_566 = arith.fptosi %min3A_565 : vector<16xf32> to vector<16xi32>
      %or3A_567 = arith.ori %select_n3A_561, %convert_element_type3A_566 : vector<16xi32>
      %mul3A_568 = arith.muli %or3A_567, %add3A_14 : vector<16xi32>
      %xor3A_569 = arith.xori %xor3A_544, %mul3A_568 : vector<16xi32>
      %get3A_570 = arith.index_cast %add3A_492 : i32 to index
      %get3A_571 = arith.constant 48 : index
      %get3A_572 = tpu.vector_load %arg6[%get3A_570, %get3A_571] {strides = array<i32>} : memref<256x128xf32, #tpu.memory_space<vmem>>, vector<16xf32>,
      %gt3A_573 = arith.constant 0.000000e+00 : f32
      %gt3A_574 = vector.broadcast %gt3A_573 : f32 to vector<16xf32>
      %gt3A_575 = arith.cmpf ogt, %get3A_572, %gt3A_574 : vector<16xf32>
      %lt3A_576 = arith.constant 0.000000e+00 : f32
      %lt3A_577 = vector.broadcast %lt3A_576 : f32 to vector<16xf32>
      %lt3A_578 = arith.cmpf olt, %get3A_572, %lt3A_577 : vector<16xf32>
      %jit3A_579 = arith.constant 12 : i32
      %jit3A_580 = arith.constant 0 : i32
      %broadcast_in_dim3A_581 = vector.broadcast %jit3A_579 : i32 to vector<16xi32>
      %broadcast_in_dim3A_582 = vector.broadcast %jit3A_580 : i32 to vector<16xi32>
      %select_n3A_583 = arith.select %lt3A_578, %broadcast_in_dim3A_581, %broadcast_in_dim3A_582 : vector<16xi1>, vector<16xi32>
      %jit3A_584 = arith.constant 4 : i32
      %broadcast_in_dim3A_585 = vector.broadcast %jit3A_584 : i32 to vector<16xi32>
      %select_n3A_586 = arith.select %gt3A_575, %broadcast_in_dim3A_585, %select_n3A_583 : vector<16xi1>, vector<16xi32>
      %abs3A_587 = math.absf %get3A_572 : vector<16xf32>
      %min3A_588 = arith.constant 7.000000e+00 : f32
      %min3A_589 = vector.broadcast %min3A_588 : f32 to vector<16xf32>
      %min3A_590 = arith.minimumf %abs3A_587, %min3A_589 : vector<16xf32>
      %convert_element_type3A_591 = arith.fptosi %min3A_590 : vector<16xf32> to vector<16xi32>
      %or3A_592 = arith.ori %select_n3A_586, %convert_element_type3A_591 : vector<16xi32>
      %mul3A_593 = arith.muli %or3A_592, %add3A_17 : vector<16xi32>
      %xor3A_594 = arith.xori %xor3A_569, %mul3A_593 : vector<16xi32>
      %mul3A_595 = arith.constant 16 : i32
      %mul3A_596 = arith.muli %add3A_492, %mul3A_595 : i32
      %swap3A_597 = arith.index_cast %mul3A_596 : i32 to index
      %swap3A_598 = tpu.vector_load %arg10[%swap3A_597] {strides = array<i32>} : memref<4096xi32, #tpu.memory_space<vmem>>, vector<16xi32>,
      tpu.vector_store %arg10[%swap3A_597], %broadcast_in_dim3A_18 {strides = array<i32>} : memref<4096xi32, #tpu.memory_space<vmem>>, vector<16xi32>,
      %add3A_599 = vector.broadcast %add3A_492 : i32 to vector<16xi32>
      %add3A_600 = arith.addi %mul3A_5, %add3A_599 : vector<16xi32>
      tpu.vector_store_idx %arg7[%add3A_600], %xor3A_594 : memref<4112xi32, #tpu.memory_space<vmem>>[vector<16xi32>], vector<16xi32>,
      %mul3A_601 = arith.constant 8 : i32
      %mul3A_602 = arith.muli %while3A_51, %mul3A_601 : i32
      %add3A_603 = arith.constant 5 : i32
      %add3A_604 = arith.addi %mul3A_602, %add3A_603 : i32
      %broadcast_in_dim3A_605 = arith.constant 0 : i32
      %broadcast_in_dim3A_606 = vector.broadcast %broadcast_in_dim3A_605 : i32 to vector<16xi32>
      %get3A_607 = arith.index_cast %add3A_604 : i32 to index
      %get3A_608 = arith.constant 0 : index
      %get3A_609 = tpu.vector_load %arg6[%get3A_607, %get3A_608] {strides = array<i32>} : memref<256x128xf32, #tpu.memory_space<vmem>>, vector<16xf32>,
      %gt3A_610 = arith.constant 0.000000e+00 : f32
      %gt3A_611 = vector.broadcast %gt3A_610 : f32 to vector<16xf32>
      %gt3A_612 = arith.cmpf ogt, %get3A_609, %gt3A_611 : vector<16xf32>
      %lt3A_613 = arith.constant 0.000000e+00 : f32
      %lt3A_614 = vector.broadcast %lt3A_613 : f32 to vector<16xf32>
      %lt3A_615 = arith.cmpf olt, %get3A_609, %lt3A_614 : vector<16xf32>
      %jit3A_616 = arith.constant 12 : i32
      %jit3A_617 = arith.constant 0 : i32
      %broadcast_in_dim3A_618 = vector.broadcast %jit3A_616 : i32 to vector<16xi32>
      %broadcast_in_dim3A_619 = vector.broadcast %jit3A_617 : i32 to vector<16xi32>
      %select_n3A_620 = arith.select %lt3A_615, %broadcast_in_dim3A_618, %broadcast_in_dim3A_619 : vector<16xi1>, vector<16xi32>
      %jit3A_621 = arith.constant 4 : i32
      %broadcast_in_dim3A_622 = vector.broadcast %jit3A_621 : i32 to vector<16xi32>
      %select_n3A_623 = arith.select %gt3A_612, %broadcast_in_dim3A_622, %select_n3A_620 : vector<16xi1>, vector<16xi32>
      %abs3A_624 = math.absf %get3A_609 : vector<16xf32>
      %min3A_625 = arith.constant 7.000000e+00 : f32
      %min3A_626 = vector.broadcast %min3A_625 : f32 to vector<16xf32>
      %min3A_627 = arith.minimumf %abs3A_624, %min3A_626 : vector<16xf32>
      %convert_element_type3A_628 = arith.fptosi %min3A_627 : vector<16xf32> to vector<16xi32>
      %or3A_629 = arith.ori %select_n3A_623, %convert_element_type3A_628 : vector<16xi32>
      %mul3A_630 = arith.muli %or3A_629, %add3A_8 : vector<16xi32>
      %xor3A_631 = arith.xori %broadcast_in_dim3A_606, %mul3A_630 : vector<16xi32>
      %get3A_632 = arith.index_cast %add3A_604 : i32 to index
      %get3A_633 = arith.constant 16 : index
      %get3A_634 = tpu.vector_load %arg6[%get3A_632, %get3A_633] {strides = array<i32>} : memref<256x128xf32, #tpu.memory_space<vmem>>, vector<16xf32>,
      %gt3A_635 = arith.constant 0.000000e+00 : f32
      %gt3A_636 = vector.broadcast %gt3A_635 : f32 to vector<16xf32>
      %gt3A_637 = arith.cmpf ogt, %get3A_634, %gt3A_636 : vector<16xf32>
      %lt3A_638 = arith.constant 0.000000e+00 : f32
      %lt3A_639 = vector.broadcast %lt3A_638 : f32 to vector<16xf32>
      %lt3A_640 = arith.cmpf olt, %get3A_634, %lt3A_639 : vector<16xf32>
      %jit3A_641 = arith.constant 12 : i32
      %jit3A_642 = arith.constant 0 : i32
      %broadcast_in_dim3A_643 = vector.broadcast %jit3A_641 : i32 to vector<16xi32>
      %broadcast_in_dim3A_644 = vector.broadcast %jit3A_642 : i32 to vector<16xi32>
      %select_n3A_645 = arith.select %lt3A_640, %broadcast_in_dim3A_643, %broadcast_in_dim3A_644 : vector<16xi1>, vector<16xi32>
      %jit3A_646 = arith.constant 4 : i32
      %broadcast_in_dim3A_647 = vector.broadcast %jit3A_646 : i32 to vector<16xi32>
      %select_n3A_648 = arith.select %gt3A_637, %broadcast_in_dim3A_647, %select_n3A_645 : vector<16xi1>, vector<16xi32>
      %abs3A_649 = math.absf %get3A_634 : vector<16xf32>
      %min3A_650 = arith.constant 7.000000e+00 : f32
      %min3A_651 = vector.broadcast %min3A_650 : f32 to vector<16xf32>
      %min3A_652 = arith.minimumf %abs3A_649, %min3A_651 : vector<16xf32>
      %convert_element_type3A_653 = arith.fptosi %min3A_652 : vector<16xf32> to vector<16xi32>
      %or3A_654 = arith.ori %select_n3A_648, %convert_element_type3A_653 : vector<16xi32>
      %mul3A_655 = arith.muli %or3A_654, %add3A_11 : vector<16xi32>
      %xor3A_656 = arith.xori %xor3A_631, %mul3A_655 : vector<16xi32>
      %get3A_657 = arith.index_cast %add3A_604 : i32 to index
      %get3A_658 = arith.constant 32 : index
      %get3A_659 = tpu.vector_load %arg6[%get3A_657, %get3A_658] {strides = array<i32>} : memref<256x128xf32, #tpu.memory_space<vmem>>, vector<16xf32>,
      %gt3A_660 = arith.constant 0.000000e+00 : f32
      %gt3A_661 = vector.broadcast %gt3A_660 : f32 to vector<16xf32>
      %gt3A_662 = arith.cmpf ogt, %get3A_659, %gt3A_661 : vector<16xf32>
      %lt3A_663 = arith.constant 0.000000e+00 : f32
      %lt3A_664 = vector.broadcast %lt3A_663 : f32 to vector<16xf32>
      %lt3A_665 = arith.cmpf olt, %get3A_659, %lt3A_664 : vector<16xf32>
      %jit3A_666 = arith.constant 12 : i32
      %jit3A_667 = arith.constant 0 : i32
      %broadcast_in_dim3A_668 = vector.broadcast %jit3A_666 : i32 to vector<16xi32>
      %broadcast_in_dim3A_669 = vector.broadcast %jit3A_667 : i32 to vector<16xi32>
      %select_n3A_670 = arith.select %lt3A_665, %broadcast_in_dim3A_668, %broadcast_in_dim3A_669 : vector<16xi1>, vector<16xi32>
      %jit3A_671 = arith.constant 4 : i32
      %broadcast_in_dim3A_672 = vector.broadcast %jit3A_671 : i32 to vector<16xi32>
      %select_n3A_673 = arith.select %gt3A_662, %broadcast_in_dim3A_672, %select_n3A_670 : vector<16xi1>, vector<16xi32>
      %abs3A_674 = math.absf %get3A_659 : vector<16xf32>
      %min3A_675 = arith.constant 7.000000e+00 : f32
      %min3A_676 = vector.broadcast %min3A_675 : f32 to vector<16xf32>
      %min3A_677 = arith.minimumf %abs3A_674, %min3A_676 : vector<16xf32>
      %convert_element_type3A_678 = arith.fptosi %min3A_677 : vector<16xf32> to vector<16xi32>
      %or3A_679 = arith.ori %select_n3A_673, %convert_element_type3A_678 : vector<16xi32>
      %mul3A_680 = arith.muli %or3A_679, %add3A_14 : vector<16xi32>
      %xor3A_681 = arith.xori %xor3A_656, %mul3A_680 : vector<16xi32>
      %get3A_682 = arith.index_cast %add3A_604 : i32 to index
      %get3A_683 = arith.constant 48 : index
      %get3A_684 = tpu.vector_load %arg6[%get3A_682, %get3A_683] {strides = array<i32>} : memref<256x128xf32, #tpu.memory_space<vmem>>, vector<16xf32>,
      %gt3A_685 = arith.constant 0.000000e+00 : f32
      %gt3A_686 = vector.broadcast %gt3A_685 : f32 to vector<16xf32>
      %gt3A_687 = arith.cmpf ogt, %get3A_684, %gt3A_686 : vector<16xf32>
      %lt3A_688 = arith.constant 0.000000e+00 : f32
      %lt3A_689 = vector.broadcast %lt3A_688 : f32 to vector<16xf32>
      %lt3A_690 = arith.cmpf olt, %get3A_684, %lt3A_689 : vector<16xf32>
      %jit3A_691 = arith.constant 12 : i32
      %jit3A_692 = arith.constant 0 : i32
      %broadcast_in_dim3A_693 = vector.broadcast %jit3A_691 : i32 to vector<16xi32>
      %broadcast_in_dim3A_694 = vector.broadcast %jit3A_692 : i32 to vector<16xi32>
      %select_n3A_695 = arith.select %lt3A_690, %broadcast_in_dim3A_693, %broadcast_in_dim3A_694 : vector<16xi1>, vector<16xi32>
      %jit3A_696 = arith.constant 4 : i32
      %broadcast_in_dim3A_697 = vector.broadcast %jit3A_696 : i32 to vector<16xi32>
      %select_n3A_698 = arith.select %gt3A_687, %broadcast_in_dim3A_697, %select_n3A_695 : vector<16xi1>, vector<16xi32>
      %abs3A_699 = math.absf %get3A_684 : vector<16xf32>
      %min3A_700 = arith.constant 7.000000e+00 : f32
      %min3A_701 = vector.broadcast %min3A_700 : f32 to vector<16xf32>
      %min3A_702 = arith.minimumf %abs3A_699, %min3A_701 : vector<16xf32>
      %convert_element_type3A_703 = arith.fptosi %min3A_702 : vector<16xf32> to vector<16xi32>
      %or3A_704 = arith.ori %select_n3A_698, %convert_element_type3A_703 : vector<16xi32>
      %mul3A_705 = arith.muli %or3A_704, %add3A_17 : vector<16xi32>
      %xor3A_706 = arith.xori %xor3A_681, %mul3A_705 : vector<16xi32>
      %mul3A_707 = arith.constant 16 : i32
      %mul3A_708 = arith.muli %add3A_604, %mul3A_707 : i32
      %swap3A_709 = arith.index_cast %mul3A_708 : i32 to index
      %swap3A_710 = tpu.vector_load %arg10[%swap3A_709] {strides = array<i32>} : memref<4096xi32, #tpu.memory_space<vmem>>, vector<16xi32>,
      tpu.vector_store %arg10[%swap3A_709], %broadcast_in_dim3A_18 {strides = array<i32>} : memref<4096xi32, #tpu.memory_space<vmem>>, vector<16xi32>,
      %add3A_711 = vector.broadcast %add3A_604 : i32 to vector<16xi32>
      %add3A_712 = arith.addi %mul3A_5, %add3A_711 : vector<16xi32>
      tpu.vector_store_idx %arg7[%add3A_712], %xor3A_706 : memref<4112xi32, #tpu.memory_space<vmem>>[vector<16xi32>], vector<16xi32>,
      %mul3A_713 = arith.constant 8 : i32
      %mul3A_714 = arith.muli %while3A_51, %mul3A_713 : i32
      %add3A_715 = arith.constant 6 : i32
      %add3A_716 = arith.addi %mul3A_714, %add3A_715 : i32
      %broadcast_in_dim3A_717 = arith.constant 0 : i32
      %broadcast_in_dim3A_718 = vector.broadcast %broadcast_in_dim3A_717 : i32 to vector<16xi32>
      %get3A_719 = arith.index_cast %add3A_716 : i32 to index
      %get3A_720 = arith.constant 0 : index
      %get3A_721 = tpu.vector_load %arg6[%get3A_719, %get3A_720] {strides = array<i32>} : memref<256x128xf32, #tpu.memory_space<vmem>>, vector<16xf32>,
      %gt3A_722 = arith.constant 0.000000e+00 : f32
      %gt3A_723 = vector.broadcast %gt3A_722 : f32 to vector<16xf32>
      %gt3A_724 = arith.cmpf ogt, %get3A_721, %gt3A_723 : vector<16xf32>
      %lt3A_725 = arith.constant 0.000000e+00 : f32
      %lt3A_726 = vector.broadcast %lt3A_725 : f32 to vector<16xf32>
      %lt3A_727 = arith.cmpf olt, %get3A_721, %lt3A_726 : vector<16xf32>
      %jit3A_728 = arith.constant 12 : i32
      %jit3A_729 = arith.constant 0 : i32
      %broadcast_in_dim3A_730 = vector.broadcast %jit3A_728 : i32 to vector<16xi32>
      %broadcast_in_dim3A_731 = vector.broadcast %jit3A_729 : i32 to vector<16xi32>
      %select_n3A_732 = arith.select %lt3A_727, %broadcast_in_dim3A_730, %broadcast_in_dim3A_731 : vector<16xi1>, vector<16xi32>
      %jit3A_733 = arith.constant 4 : i32
      %broadcast_in_dim3A_734 = vector.broadcast %jit3A_733 : i32 to vector<16xi32>
      %select_n3A_735 = arith.select %gt3A_724, %broadcast_in_dim3A_734, %select_n3A_732 : vector<16xi1>, vector<16xi32>
      %abs3A_736 = math.absf %get3A_721 : vector<16xf32>
      %min3A_737 = arith.constant 7.000000e+00 : f32
      %min3A_738 = vector.broadcast %min3A_737 : f32 to vector<16xf32>
      %min3A_739 = arith.minimumf %abs3A_736, %min3A_738 : vector<16xf32>
      %convert_element_type3A_740 = arith.fptosi %min3A_739 : vector<16xf32> to vector<16xi32>
      %or3A_741 = arith.ori %select_n3A_735, %convert_element_type3A_740 : vector<16xi32>
      %mul3A_742 = arith.muli %or3A_741, %add3A_8 : vector<16xi32>
      %xor3A_743 = arith.xori %broadcast_in_dim3A_718, %mul3A_742 : vector<16xi32>
      %get3A_744 = arith.index_cast %add3A_716 : i32 to index
      %get3A_745 = arith.constant 16 : index
      %get3A_746 = tpu.vector_load %arg6[%get3A_744, %get3A_745] {strides = array<i32>} : memref<256x128xf32, #tpu.memory_space<vmem>>, vector<16xf32>,
      %gt3A_747 = arith.constant 0.000000e+00 : f32
      %gt3A_748 = vector.broadcast %gt3A_747 : f32 to vector<16xf32>
      %gt3A_749 = arith.cmpf ogt, %get3A_746, %gt3A_748 : vector<16xf32>
      %lt3A_750 = arith.constant 0.000000e+00 : f32
      %lt3A_751 = vector.broadcast %lt3A_750 : f32 to vector<16xf32>
      %lt3A_752 = arith.cmpf olt, %get3A_746, %lt3A_751 : vector<16xf32>
      %jit3A_753 = arith.constant 12 : i32
      %jit3A_754 = arith.constant 0 : i32
      %broadcast_in_dim3A_755 = vector.broadcast %jit3A_753 : i32 to vector<16xi32>
      %broadcast_in_dim3A_756 = vector.broadcast %jit3A_754 : i32 to vector<16xi32>
      %select_n3A_757 = arith.select %lt3A_752, %broadcast_in_dim3A_755, %broadcast_in_dim3A_756 : vector<16xi1>, vector<16xi32>
      %jit3A_758 = arith.constant 4 : i32
      %broadcast_in_dim3A_759 = vector.broadcast %jit3A_758 : i32 to vector<16xi32>
      %select_n3A_760 = arith.select %gt3A_749, %broadcast_in_dim3A_759, %select_n3A_757 : vector<16xi1>, vector<16xi32>
      %abs3A_761 = math.absf %get3A_746 : vector<16xf32>
      %min3A_762 = arith.constant 7.000000e+00 : f32
      %min3A_763 = vector.broadcast %min3A_762 : f32 to vector<16xf32>
      %min3A_764 = arith.minimumf %abs3A_761, %min3A_763 : vector<16xf32>
      %convert_element_type3A_765 = arith.fptosi %min3A_764 : vector<16xf32> to vector<16xi32>
      %or3A_766 = arith.ori %select_n3A_760, %convert_element_type3A_765 : vector<16xi32>
      %mul3A_767 = arith.muli %or3A_766, %add3A_11 : vector<16xi32>
      %xor3A_768 = arith.xori %xor3A_743, %mul3A_767 : vector<16xi32>
      %get3A_769 = arith.index_cast %add3A_716 : i32 to index
      %get3A_770 = arith.constant 32 : index
      %get3A_771 = tpu.vector_load %arg6[%get3A_769, %get3A_770] {strides = array<i32>} : memref<256x128xf32, #tpu.memory_space<vmem>>, vector<16xf32>,
      %gt3A_772 = arith.constant 0.000000e+00 : f32
      %gt3A_773 = vector.broadcast %gt3A_772 : f32 to vector<16xf32>
      %gt3A_774 = arith.cmpf ogt, %get3A_771, %gt3A_773 : vector<16xf32>
      %lt3A_775 = arith.constant 0.000000e+00 : f32
      %lt3A_776 = vector.broadcast %lt3A_775 : f32 to vector<16xf32>
      %lt3A_777 = arith.cmpf olt, %get3A_771, %lt3A_776 : vector<16xf32>
      %jit3A_778 = arith.constant 12 : i32
      %jit3A_779 = arith.constant 0 : i32
      %broadcast_in_dim3A_780 = vector.broadcast %jit3A_778 : i32 to vector<16xi32>
      %broadcast_in_dim3A_781 = vector.broadcast %jit3A_779 : i32 to vector<16xi32>
      %select_n3A_782 = arith.select %lt3A_777, %broadcast_in_dim3A_780, %broadcast_in_dim3A_781 : vector<16xi1>, vector<16xi32>
      %jit3A_783 = arith.constant 4 : i32
      %broadcast_in_dim3A_784 = vector.broadcast %jit3A_783 : i32 to vector<16xi32>
      %select_n3A_785 = arith.select %gt3A_774, %broadcast_in_dim3A_784, %select_n3A_782 : vector<16xi1>, vector<16xi32>
      %abs3A_786 = math.absf %get3A_771 : vector<16xf32>
      %min3A_787 = arith.constant 7.000000e+00 : f32
      %min3A_788 = vector.broadcast %min3A_787 : f32 to vector<16xf32>
      %min3A_789 = arith.minimumf %abs3A_786, %min3A_788 : vector<16xf32>
      %convert_element_type3A_790 = arith.fptosi %min3A_789 : vector<16xf32> to vector<16xi32>
      %or3A_791 = arith.ori %select_n3A_785, %convert_element_type3A_790 : vector<16xi32>
      %mul3A_792 = arith.muli %or3A_791, %add3A_14 : vector<16xi32>
      %xor3A_793 = arith.xori %xor3A_768, %mul3A_792 : vector<16xi32>
      %get3A_794 = arith.index_cast %add3A_716 : i32 to index
      %get3A_795 = arith.constant 48 : index
      %get3A_796 = tpu.vector_load %arg6[%get3A_794, %get3A_795] {strides = array<i32>} : memref<256x128xf32, #tpu.memory_space<vmem>>, vector<16xf32>,
      %gt3A_797 = arith.constant 0.000000e+00 : f32
      %gt3A_798 = vector.broadcast %gt3A_797 : f32 to vector<16xf32>
      %gt3A_799 = arith.cmpf ogt, %get3A_796, %gt3A_798 : vector<16xf32>
      %lt3A_800 = arith.constant 0.000000e+00 : f32
      %lt3A_801 = vector.broadcast %lt3A_800 : f32 to vector<16xf32>
      %lt3A_802 = arith.cmpf olt, %get3A_796, %lt3A_801 : vector<16xf32>
      %jit3A_803 = arith.constant 12 : i32
      %jit3A_804 = arith.constant 0 : i32
      %broadcast_in_dim3A_805 = vector.broadcast %jit3A_803 : i32 to vector<16xi32>
      %broadcast_in_dim3A_806 = vector.broadcast %jit3A_804 : i32 to vector<16xi32>
      %select_n3A_807 = arith.select %lt3A_802, %broadcast_in_dim3A_805, %broadcast_in_dim3A_806 : vector<16xi1>, vector<16xi32>
      %jit3A_808 = arith.constant 4 : i32
      %broadcast_in_dim3A_809 = vector.broadcast %jit3A_808 : i32 to vector<16xi32>
      %select_n3A_810 = arith.select %gt3A_799, %broadcast_in_dim3A_809, %select_n3A_807 : vector<16xi1>, vector<16xi32>
      %abs3A_811 = math.absf %get3A_796 : vector<16xf32>
      %min3A_812 = arith.constant 7.000000e+00 : f32
      %min3A_813 = vector.broadcast %min3A_812 : f32 to vector<16xf32>
      %min3A_814 = arith.minimumf %abs3A_811, %min3A_813 : vector<16xf32>
      %convert_element_type3A_815 = arith.fptosi %min3A_814 : vector<16xf32> to vector<16xi32>
      %or3A_816 = arith.ori %select_n3A_810, %convert_element_type3A_815 : vector<16xi32>
      %mul3A_817 = arith.muli %or3A_816, %add3A_17 : vector<16xi32>
      %xor3A_818 = arith.xori %xor3A_793, %mul3A_817 : vector<16xi32>
      %mul3A_819 = arith.constant 16 : i32
      %mul3A_820 = arith.muli %add3A_716, %mul3A_819 : i32
      %swap3A_821 = arith.index_cast %mul3A_820 : i32 to index
      %swap3A_822 = tpu.vector_load %arg10[%swap3A_821] {strides = array<i32>} : memref<4096xi32, #tpu.memory_space<vmem>>, vector<16xi32>,
      tpu.vector_store %arg10[%swap3A_821], %broadcast_in_dim3A_18 {strides = array<i32>} : memref<4096xi32, #tpu.memory_space<vmem>>, vector<16xi32>,
      %add3A_823 = vector.broadcast %add3A_716 : i32 to vector<16xi32>
      %add3A_824 = arith.addi %mul3A_5, %add3A_823 : vector<16xi32>
      tpu.vector_store_idx %arg7[%add3A_824], %xor3A_818 : memref<4112xi32, #tpu.memory_space<vmem>>[vector<16xi32>], vector<16xi32>,
      %mul3A_825 = arith.constant 8 : i32
      %mul3A_826 = arith.muli %while3A_51, %mul3A_825 : i32
      %add3A_827 = arith.constant 7 : i32
      %add3A_828 = arith.addi %mul3A_826, %add3A_827 : i32
      %broadcast_in_dim3A_829 = arith.constant 0 : i32
      %broadcast_in_dim3A_830 = vector.broadcast %broadcast_in_dim3A_829 : i32 to vector<16xi32>
      %get3A_831 = arith.index_cast %add3A_828 : i32 to index
      %get3A_832 = arith.constant 0 : index
      %get3A_833 = tpu.vector_load %arg6[%get3A_831, %get3A_832] {strides = array<i32>} : memref<256x128xf32, #tpu.memory_space<vmem>>, vector<16xf32>,
      %gt3A_834 = arith.constant 0.000000e+00 : f32
      %gt3A_835 = vector.broadcast %gt3A_834 : f32 to vector<16xf32>
      %gt3A_836 = arith.cmpf ogt, %get3A_833, %gt3A_835 : vector<16xf32>
      %lt3A_837 = arith.constant 0.000000e+00 : f32
      %lt3A_838 = vector.broadcast %lt3A_837 : f32 to vector<16xf32>
      %lt3A_839 = arith.cmpf olt, %get3A_833, %lt3A_838 : vector<16xf32>
      %jit3A_840 = arith.constant 12 : i32
      %jit3A_841 = arith.constant 0 : i32
      %broadcast_in_dim3A_842 = vector.broadcast %jit3A_840 : i32 to vector<16xi32>
      %broadcast_in_dim3A_843 = vector.broadcast %jit3A_841 : i32 to vector<16xi32>
      %select_n3A_844 = arith.select %lt3A_839, %broadcast_in_dim3A_842, %broadcast_in_dim3A_843 : vector<16xi1>, vector<16xi32>
      %jit3A_845 = arith.constant 4 : i32
      %broadcast_in_dim3A_846 = vector.broadcast %jit3A_845 : i32 to vector<16xi32>
      %select_n3A_847 = arith.select %gt3A_836, %broadcast_in_dim3A_846, %select_n3A_844 : vector<16xi1>, vector<16xi32>
      %abs3A_848 = math.absf %get3A_833 : vector<16xf32>
      %min3A_849 = arith.constant 7.000000e+00 : f32
      %min3A_850 = vector.broadcast %min3A_849 : f32 to vector<16xf32>
      %min3A_851 = arith.minimumf %abs3A_848, %min3A_850 : vector<16xf32>
      %convert_element_type3A_852 = arith.fptosi %min3A_851 : vector<16xf32> to vector<16xi32>
      %or3A_853 = arith.ori %select_n3A_847, %convert_element_type3A_852 : vector<16xi32>
      %mul3A_854 = arith.muli %or3A_853, %add3A_8 : vector<16xi32>
      %xor3A_855 = arith.xori %broadcast_in_dim3A_830, %mul3A_854 : vector<16xi32>
      %get3A_856 = arith.index_cast %add3A_828 : i32 to index
      %get3A_857 = arith.constant 16 : index
      %get3A_858 = tpu.vector_load %arg6[%get3A_856, %get3A_857] {strides = array<i32>} : memref<256x128xf32, #tpu.memory_space<vmem>>, vector<16xf32>,
      %gt3A_859 = arith.constant 0.000000e+00 : f32
      %gt3A_860 = vector.broadcast %gt3A_859 : f32 to vector<16xf32>
      %gt3A_861 = arith.cmpf ogt, %get3A_858, %gt3A_860 : vector<16xf32>
      %lt3A_862 = arith.constant 0.000000e+00 : f32
      %lt3A_863 = vector.broadcast %lt3A_862 : f32 to vector<16xf32>
      %lt3A_864 = arith.cmpf olt, %get3A_858, %lt3A_863 : vector<16xf32>
      %jit3A_865 = arith.constant 12 : i32
      %jit3A_866 = arith.constant 0 : i32
      %broadcast_in_dim3A_867 = vector.broadcast %jit3A_865 : i32 to vector<16xi32>
      %broadcast_in_dim3A_868 = vector.broadcast %jit3A_866 : i32 to vector<16xi32>
      %select_n3A_869 = arith.select %lt3A_864, %broadcast_in_dim3A_867, %broadcast_in_dim3A_868 : vector<16xi1>, vector<16xi32>
      %jit3A_870 = arith.constant 4 : i32
      %broadcast_in_dim3A_871 = vector.broadcast %jit3A_870 : i32 to vector<16xi32>
      %select_n3A_872 = arith.select %gt3A_861, %broadcast_in_dim3A_871, %select_n3A_869 : vector<16xi1>, vector<16xi32>
      %abs3A_873 = math.absf %get3A_858 : vector<16xf32>
      %min3A_874 = arith.constant 7.000000e+00 : f32
      %min3A_875 = vector.broadcast %min3A_874 : f32 to vector<16xf32>
      %min3A_876 = arith.minimumf %abs3A_873, %min3A_875 : vector<16xf32>
      %convert_element_type3A_877 = arith.fptosi %min3A_876 : vector<16xf32> to vector<16xi32>
      %or3A_878 = arith.ori %select_n3A_872, %convert_element_type3A_877 : vector<16xi32>
      %mul3A_879 = arith.muli %or3A_878, %add3A_11 : vector<16xi32>
      %xor3A_880 = arith.xori %xor3A_855, %mul3A_879 : vector<16xi32>
      %get3A_881 = arith.index_cast %add3A_828 : i32 to index
      %get3A_882 = arith.constant 32 : index
      %get3A_883 = tpu.vector_load %arg6[%get3A_881, %get3A_882] {strides = array<i32>} : memref<256x128xf32, #tpu.memory_space<vmem>>, vector<16xf32>,
      %gt3A_884 = arith.constant 0.000000e+00 : f32
      %gt3A_885 = vector.broadcast %gt3A_884 : f32 to vector<16xf32>
      %gt3A_886 = arith.cmpf ogt, %get3A_883, %gt3A_885 : vector<16xf32>
      %lt3A_887 = arith.constant 0.000000e+00 : f32
      %lt3A_888 = vector.broadcast %lt3A_887 : f32 to vector<16xf32>
      %lt3A_889 = arith.cmpf olt, %get3A_883, %lt3A_888 : vector<16xf32>
      %jit3A_890 = arith.constant 12 : i32
      %jit3A_891 = arith.constant 0 : i32
      %broadcast_in_dim3A_892 = vector.broadcast %jit3A_890 : i32 to vector<16xi32>
      %broadcast_in_dim3A_893 = vector.broadcast %jit3A_891 : i32 to vector<16xi32>
      %select_n3A_894 = arith.select %lt3A_889, %broadcast_in_dim3A_892, %broadcast_in_dim3A_893 : vector<16xi1>, vector<16xi32>
      %jit3A_895 = arith.constant 4 : i32
      %broadcast_in_dim3A_896 = vector.broadcast %jit3A_895 : i32 to vector<16xi32>
      %select_n3A_897 = arith.select %gt3A_886, %broadcast_in_dim3A_896, %select_n3A_894 : vector<16xi1>, vector<16xi32>
      %abs3A_898 = math.absf %get3A_883 : vector<16xf32>
      %min3A_899 = arith.constant 7.000000e+00 : f32
      %min3A_900 = vector.broadcast %min3A_899 : f32 to vector<16xf32>
      %min3A_901 = arith.minimumf %abs3A_898, %min3A_900 : vector<16xf32>
      %convert_element_type3A_902 = arith.fptosi %min3A_901 : vector<16xf32> to vector<16xi32>
      %or3A_903 = arith.ori %select_n3A_897, %convert_element_type3A_902 : vector<16xi32>
      %mul3A_904 = arith.muli %or3A_903, %add3A_14 : vector<16xi32>
      %xor3A_905 = arith.xori %xor3A_880, %mul3A_904 : vector<16xi32>
      %get3A_906 = arith.index_cast %add3A_828 : i32 to index
      %get3A_907 = arith.constant 48 : index
      %get3A_908 = tpu.vector_load %arg6[%get3A_906, %get3A_907] {strides = array<i32>} : memref<256x128xf32, #tpu.memory_space<vmem>>, vector<16xf32>,
      %gt3A_909 = arith.constant 0.000000e+00 : f32
      %gt3A_910 = vector.broadcast %gt3A_909 : f32 to vector<16xf32>
      %gt3A_911 = arith.cmpf ogt, %get3A_908, %gt3A_910 : vector<16xf32>
      %lt3A_912 = arith.constant 0.000000e+00 : f32
      %lt3A_913 = vector.broadcast %lt3A_912 : f32 to vector<16xf32>
      %lt3A_914 = arith.cmpf olt, %get3A_908, %lt3A_913 : vector<16xf32>
      %jit3A_915 = arith.constant 12 : i32
      %jit3A_916 = arith.constant 0 : i32
      %broadcast_in_dim3A_917 = vector.broadcast %jit3A_915 : i32 to vector<16xi32>
      %broadcast_in_dim3A_918 = vector.broadcast %jit3A_916 : i32 to vector<16xi32>
      %select_n3A_919 = arith.select %lt3A_914, %broadcast_in_dim3A_917, %broadcast_in_dim3A_918 : vector<16xi1>, vector<16xi32>
      %jit3A_920 = arith.constant 4 : i32
      %broadcast_in_dim3A_921 = vector.broadcast %jit3A_920 : i32 to vector<16xi32>
      %select_n3A_922 = arith.select %gt3A_911, %broadcast_in_dim3A_921, %select_n3A_919 : vector<16xi1>, vector<16xi32>
      %abs3A_923 = math.absf %get3A_908 : vector<16xf32>
      %min3A_924 = arith.constant 7.000000e+00 : f32
      %min3A_925 = vector.broadcast %min3A_924 : f32 to vector<16xf32>
      %min3A_926 = arith.minimumf %abs3A_923, %min3A_925 : vector<16xf32>
      %convert_element_type3A_927 = arith.fptosi %min3A_926 : vector<16xf32> to vector<16xi32>
      %or3A_928 = arith.ori %select_n3A_922, %convert_element_type3A_927 : vector<16xi32>
      %mul3A_929 = arith.muli %or3A_928, %add3A_17 : vector<16xi32>
      %xor3A_930 = arith.xori %xor3A_905, %mul3A_929 : vector<16xi32>
      %mul3A_931 = arith.constant 16 : i32
      %mul3A_932 = arith.muli %add3A_828, %mul3A_931 : i32
      %swap3A_933 = arith.index_cast %mul3A_932 : i32 to index
      %swap3A_934 = tpu.vector_load %arg10[%swap3A_933] {strides = array<i32>} : memref<4096xi32, #tpu.memory_space<vmem>>, vector<16xi32>,
      tpu.vector_store %arg10[%swap3A_933], %broadcast_in_dim3A_18 {strides = array<i32>} : memref<4096xi32, #tpu.memory_space<vmem>>, vector<16xi32>,
      %add3A_935 = vector.broadcast %add3A_828 : i32 to vector<16xi32>
      %add3A_936 = arith.addi %mul3A_5, %add3A_935 : vector<16xi32>
      tpu.vector_store_idx %arg7[%add3A_936], %xor3A_930 : memref<4112xi32, #tpu.memory_space<vmem>>[vector<16xi32>], vector<16xi32>,
    }
    %while3A_28 = arith.constant 1 : i32
    scf.for %while3A_51 = %while3A_26 to %while3A_22 step %while3A_28  : i32 {
      %mul3A_52 = arith.constant 8 : i32
      %mul3A_53 = arith.muli %while3A_51, %mul3A_52 : i32
      %add3A_54 = arith.constant 0 : i32
      %add3A_55 = arith.addi %mul3A_53, %add3A_54 : i32
      %broadcast_in_dim3A_56 = arith.constant 0 : i32
      %broadcast_in_dim3A_57 = vector.broadcast %broadcast_in_dim3A_56 : i32 to vector<16xi32>
      %get3A = arith.index_cast %add3A_55 : i32 to index
      %get3A_58 = arith.constant 0 : index
      %get3A_59 = tpu.vector_load %arg6[%get3A, %get3A_58] {strides = array<i32>} : memref<256x128xf32, #tpu.memory_space<vmem>>, vector<16xf32>,
      %gt3A = arith.constant 0.000000e+00 : f32
      %gt3A_60 = vector.broadcast %gt3A : f32 to vector<16xf32>
      %gt3A_61 = arith.cmpf ogt, %get3A_59, %gt3A_60 : vector<16xf32>
      %lt3A = arith.constant 0.000000e+00 : f32
      %lt3A_62 = vector.broadcast %lt3A : f32 to vector<16xf32>
      %lt3A_63 = arith.cmpf olt, %get3A_59, %lt3A_62 : vector<16xf32>
      %jit3A = arith.constant 12 : i32
      %jit3A_64 = arith.constant 0 : i32
      %broadcast_in_dim3A_65 = vector.broadcast %jit3A : i32 to vector<16xi32>
      %broadcast_in_dim3A_66 = vector.broadcast %jit3A_64 : i32 to vector<16xi32>
      %select_n3A = arith.select %lt3A_63, %broadcast_in_dim3A_65, %broadcast_in_dim3A_66 : vector<16xi1>, vector<16xi32>
      %jit3A_67 = arith.constant 4 : i32
      %broadcast_in_dim3A_68 = vector.broadcast %jit3A_67 : i32 to vector<16xi32>
      %select_n3A_69 = arith.select %gt3A_61, %broadcast_in_dim3A_68, %select_n3A : vector<16xi1>, vector<16xi32>
      %abs3A = math.absf %get3A_59 : vector<16xf32>
      %min3A = arith.constant 7.000000e+00 : f32
      %min3A_70 = vector.broadcast %min3A : f32 to vector<16xf32>
      %min3A_71 = arith.minimumf %abs3A, %min3A_70 : vector<16xf32>
      %convert_element_type3A = arith.fptosi %min3A_71 : vector<16xf32> to vector<16xi32>
      %or3A = arith.ori %select_n3A_69, %convert_element_type3A : vector<16xi32>
      %mul3A_72 = arith.muli %or3A, %add3A_8 : vector<16xi32>
      %xor3A = arith.xori %broadcast_in_dim3A_57, %mul3A_72 : vector<16xi32>
      %get3A_73 = arith.index_cast %add3A_55 : i32 to index
      %get3A_74 = arith.constant 16 : index
      %get3A_75 = tpu.vector_load %arg6[%get3A_73, %get3A_74] {strides = array<i32>} : memref<256x128xf32, #tpu.memory_space<vmem>>, vector<16xf32>,
      %gt3A_76 = arith.constant 0.000000e+00 : f32
      %gt3A_77 = vector.broadcast %gt3A_76 : f32 to vector<16xf32>
      %gt3A_78 = arith.cmpf ogt, %get3A_75, %gt3A_77 : vector<16xf32>
      %lt3A_79 = arith.constant 0.000000e+00 : f32
      %lt3A_80 = vector.broadcast %lt3A_79 : f32 to vector<16xf32>
      %lt3A_81 = arith.cmpf olt, %get3A_75, %lt3A_80 : vector<16xf32>
      %jit3A_82 = arith.constant 12 : i32
      %jit3A_83 = arith.constant 0 : i32
      %broadcast_in_dim3A_84 = vector.broadcast %jit3A_82 : i32 to vector<16xi32>
      %broadcast_in_dim3A_85 = vector.broadcast %jit3A_83 : i32 to vector<16xi32>
      %select_n3A_86 = arith.select %lt3A_81, %broadcast_in_dim3A_84, %broadcast_in_dim3A_85 : vector<16xi1>, vector<16xi32>
      %jit3A_87 = arith.constant 4 : i32
      %broadcast_in_dim3A_88 = vector.broadcast %jit3A_87 : i32 to vector<16xi32>
      %select_n3A_89 = arith.select %gt3A_78, %broadcast_in_dim3A_88, %select_n3A_86 : vector<16xi1>, vector<16xi32>
      %abs3A_90 = math.absf %get3A_75 : vector<16xf32>
      %min3A_91 = arith.constant 7.000000e+00 : f32
      %min3A_92 = vector.broadcast %min3A_91 : f32 to vector<16xf32>
      %min3A_93 = arith.minimumf %abs3A_90, %min3A_92 : vector<16xf32>
      %convert_element_type3A_94 = arith.fptosi %min3A_93 : vector<16xf32> to vector<16xi32>
      %or3A_95 = arith.ori %select_n3A_89, %convert_element_type3A_94 : vector<16xi32>
      %mul3A_96 = arith.muli %or3A_95, %add3A_11 : vector<16xi32>
      %xor3A_97 = arith.xori %xor3A, %mul3A_96 : vector<16xi32>
      %get3A_98 = arith.index_cast %add3A_55 : i32 to index
      %get3A_99 = arith.constant 32 : index
      %get3A_100 = tpu.vector_load %arg6[%get3A_98, %get3A_99] {strides = array<i32>} : memref<256x128xf32, #tpu.memory_space<vmem>>, vector<16xf32>,
      %gt3A_101 = arith.constant 0.000000e+00 : f32
      %gt3A_102 = vector.broadcast %gt3A_101 : f32 to vector<16xf32>
      %gt3A_103 = arith.cmpf ogt, %get3A_100, %gt3A_102 : vector<16xf32>
      %lt3A_104 = arith.constant 0.000000e+00 : f32
      %lt3A_105 = vector.broadcast %lt3A_104 : f32 to vector<16xf32>
      %lt3A_106 = arith.cmpf olt, %get3A_100, %lt3A_105 : vector<16xf32>
      %jit3A_107 = arith.constant 12 : i32
      %jit3A_108 = arith.constant 0 : i32
      %broadcast_in_dim3A_109 = vector.broadcast %jit3A_107 : i32 to vector<16xi32>
      %broadcast_in_dim3A_110 = vector.broadcast %jit3A_108 : i32 to vector<16xi32>
      %select_n3A_111 = arith.select %lt3A_106, %broadcast_in_dim3A_109, %broadcast_in_dim3A_110 : vector<16xi1>, vector<16xi32>
      %jit3A_112 = arith.constant 4 : i32
      %broadcast_in_dim3A_113 = vector.broadcast %jit3A_112 : i32 to vector<16xi32>
      %select_n3A_114 = arith.select %gt3A_103, %broadcast_in_dim3A_113, %select_n3A_111 : vector<16xi1>, vector<16xi32>
      %abs3A_115 = math.absf %get3A_100 : vector<16xf32>
      %min3A_116 = arith.constant 7.000000e+00 : f32
      %min3A_117 = vector.broadcast %min3A_116 : f32 to vector<16xf32>
      %min3A_118 = arith.minimumf %abs3A_115, %min3A_117 : vector<16xf32>
      %convert_element_type3A_119 = arith.fptosi %min3A_118 : vector<16xf32> to vector<16xi32>
      %or3A_120 = arith.ori %select_n3A_114, %convert_element_type3A_119 : vector<16xi32>
      %mul3A_121 = arith.muli %or3A_120, %add3A_14 : vector<16xi32>
      %xor3A_122 = arith.xori %xor3A_97, %mul3A_121 : vector<16xi32>
      %get3A_123 = arith.index_cast %add3A_55 : i32 to index
      %get3A_124 = arith.constant 48 : index
      %get3A_125 = tpu.vector_load %arg6[%get3A_123, %get3A_124] {strides = array<i32>} : memref<256x128xf32, #tpu.memory_space<vmem>>, vector<16xf32>,
      %gt3A_126 = arith.constant 0.000000e+00 : f32
      %gt3A_127 = vector.broadcast %gt3A_126 : f32 to vector<16xf32>
      %gt3A_128 = arith.cmpf ogt, %get3A_125, %gt3A_127 : vector<16xf32>
      %lt3A_129 = arith.constant 0.000000e+00 : f32
      %lt3A_130 = vector.broadcast %lt3A_129 : f32 to vector<16xf32>
      %lt3A_131 = arith.cmpf olt, %get3A_125, %lt3A_130 : vector<16xf32>
      %jit3A_132 = arith.constant 12 : i32
      %jit3A_133 = arith.constant 0 : i32
      %broadcast_in_dim3A_134 = vector.broadcast %jit3A_132 : i32 to vector<16xi32>
      %broadcast_in_dim3A_135 = vector.broadcast %jit3A_133 : i32 to vector<16xi32>
      %select_n3A_136 = arith.select %lt3A_131, %broadcast_in_dim3A_134, %broadcast_in_dim3A_135 : vector<16xi1>, vector<16xi32>
      %jit3A_137 = arith.constant 4 : i32
      %broadcast_in_dim3A_138 = vector.broadcast %jit3A_137 : i32 to vector<16xi32>
      %select_n3A_139 = arith.select %gt3A_128, %broadcast_in_dim3A_138, %select_n3A_136 : vector<16xi1>, vector<16xi32>
      %abs3A_140 = math.absf %get3A_125 : vector<16xf32>
      %min3A_141 = arith.constant 7.000000e+00 : f32
      %min3A_142 = vector.broadcast %min3A_141 : f32 to vector<16xf32>
      %min3A_143 = arith.minimumf %abs3A_140, %min3A_142 : vector<16xf32>
      %convert_element_type3A_144 = arith.fptosi %min3A_143 : vector<16xf32> to vector<16xi32>
      %or3A_145 = arith.ori %select_n3A_139, %convert_element_type3A_144 : vector<16xi32>
      %mul3A_146 = arith.muli %or3A_145, %add3A_17 : vector<16xi32>
      %xor3A_147 = arith.xori %xor3A_122, %mul3A_146 : vector<16xi32>
      %mul3A_148 = arith.constant 16 : i32
      %mul3A_149 = arith.muli %add3A_55, %mul3A_148 : i32
      %swap3A = arith.index_cast %mul3A_149 : i32 to index
      %swap3A_150 = tpu.vector_load %arg10[%swap3A] {strides = array<i32>} : memref<4096xi32, #tpu.memory_space<vmem>>, vector<16xi32>,
      tpu.vector_store %arg10[%swap3A], %broadcast_in_dim3A_18 {strides = array<i32>} : memref<4096xi32, #tpu.memory_space<vmem>>, vector<16xi32>,
      %add3A_151 = vector.broadcast %add3A_55 : i32 to vector<16xi32>
      %add3A_152 = arith.addi %mul3A_5, %add3A_151 : vector<16xi32>
      tpu.vector_store_idx %arg7[%add3A_152], %xor3A_147 : memref<4112xi32, #tpu.memory_space<vmem>>[vector<16xi32>], vector<16xi32>,
      %mul3A_153 = arith.constant 8 : i32
      %mul3A_154 = arith.muli %while3A_51, %mul3A_153 : i32
      %add3A_155 = arith.constant 1 : i32
      %add3A_156 = arith.addi %mul3A_154, %add3A_155 : i32
      %broadcast_in_dim3A_157 = arith.constant 0 : i32
      %broadcast_in_dim3A_158 = vector.broadcast %broadcast_in_dim3A_157 : i32 to vector<16xi32>
      %get3A_159 = arith.index_cast %add3A_156 : i32 to index
      %get3A_160 = arith.constant 0 : index
      %get3A_161 = tpu.vector_load %arg6[%get3A_159, %get3A_160] {strides = array<i32>} : memref<256x128xf32, #tpu.memory_space<vmem>>, vector<16xf32>,
      %gt3A_162 = arith.constant 0.000000e+00 : f32
      %gt3A_163 = vector.broadcast %gt3A_162 : f32 to vector<16xf32>
      %gt3A_164 = arith.cmpf ogt, %get3A_161, %gt3A_163 : vector<16xf32>
      %lt3A_165 = arith.constant 0.000000e+00 : f32
      %lt3A_166 = vector.broadcast %lt3A_165 : f32 to vector<16xf32>
      %lt3A_167 = arith.cmpf olt, %get3A_161, %lt3A_166 : vector<16xf32>
      %jit3A_168 = arith.constant 12 : i32
      %jit3A_169 = arith.constant 0 : i32
      %broadcast_in_dim3A_170 = vector.broadcast %jit3A_168 : i32 to vector<16xi32>
      %broadcast_in_dim3A_171 = vector.broadcast %jit3A_169 : i32 to vector<16xi32>
      %select_n3A_172 = arith.select %lt3A_167, %broadcast_in_dim3A_170, %broadcast_in_dim3A_171 : vector<16xi1>, vector<16xi32>
      %jit3A_173 = arith.constant 4 : i32
      %broadcast_in_dim3A_174 = vector.broadcast %jit3A_173 : i32 to vector<16xi32>
      %select_n3A_175 = arith.select %gt3A_164, %broadcast_in_dim3A_174, %select_n3A_172 : vector<16xi1>, vector<16xi32>
      %abs3A_176 = math.absf %get3A_161 : vector<16xf32>
      %min3A_177 = arith.constant 7.000000e+00 : f32
      %min3A_178 = vector.broadcast %min3A_177 : f32 to vector<16xf32>
      %min3A_179 = arith.minimumf %abs3A_176, %min3A_178 : vector<16xf32>
      %convert_element_type3A_180 = arith.fptosi %min3A_179 : vector<16xf32> to vector<16xi32>
      %or3A_181 = arith.ori %select_n3A_175, %convert_element_type3A_180 : vector<16xi32>
      %mul3A_182 = arith.muli %or3A_181, %add3A_8 : vector<16xi32>
      %xor3A_183 = arith.xori %broadcast_in_dim3A_158, %mul3A_182 : vector<16xi32>
      %get3A_184 = arith.index_cast %add3A_156 : i32 to index
      %get3A_185 = arith.constant 16 : index
      %get3A_186 = tpu.vector_load %arg6[%get3A_184, %get3A_185] {strides = array<i32>} : memref<256x128xf32, #tpu.memory_space<vmem>>, vector<16xf32>,
      %gt3A_187 = arith.constant 0.000000e+00 : f32
      %gt3A_188 = vector.broadcast %gt3A_187 : f32 to vector<16xf32>
      %gt3A_189 = arith.cmpf ogt, %get3A_186, %gt3A_188 : vector<16xf32>
      %lt3A_190 = arith.constant 0.000000e+00 : f32
      %lt3A_191 = vector.broadcast %lt3A_190 : f32 to vector<16xf32>
      %lt3A_192 = arith.cmpf olt, %get3A_186, %lt3A_191 : vector<16xf32>
      %jit3A_193 = arith.constant 12 : i32
      %jit3A_194 = arith.constant 0 : i32
      %broadcast_in_dim3A_195 = vector.broadcast %jit3A_193 : i32 to vector<16xi32>
      %broadcast_in_dim3A_196 = vector.broadcast %jit3A_194 : i32 to vector<16xi32>
      %select_n3A_197 = arith.select %lt3A_192, %broadcast_in_dim3A_195, %broadcast_in_dim3A_196 : vector<16xi1>, vector<16xi32>
      %jit3A_198 = arith.constant 4 : i32
      %broadcast_in_dim3A_199 = vector.broadcast %jit3A_198 : i32 to vector<16xi32>
      %select_n3A_200 = arith.select %gt3A_189, %broadcast_in_dim3A_199, %select_n3A_197 : vector<16xi1>, vector<16xi32>
      %abs3A_201 = math.absf %get3A_186 : vector<16xf32>
      %min3A_202 = arith.constant 7.000000e+00 : f32
      %min3A_203 = vector.broadcast %min3A_202 : f32 to vector<16xf32>
      %min3A_204 = arith.minimumf %abs3A_201, %min3A_203 : vector<16xf32>
      %convert_element_type3A_205 = arith.fptosi %min3A_204 : vector<16xf32> to vector<16xi32>
      %or3A_206 = arith.ori %select_n3A_200, %convert_element_type3A_205 : vector<16xi32>
      %mul3A_207 = arith.muli %or3A_206, %add3A_11 : vector<16xi32>
      %xor3A_208 = arith.xori %xor3A_183, %mul3A_207 : vector<16xi32>
      %get3A_209 = arith.index_cast %add3A_156 : i32 to index
      %get3A_210 = arith.constant 32 : index
      %get3A_211 = tpu.vector_load %arg6[%get3A_209, %get3A_210] {strides = array<i32>} : memref<256x128xf32, #tpu.memory_space<vmem>>, vector<16xf32>,
      %gt3A_212 = arith.constant 0.000000e+00 : f32
      %gt3A_213 = vector.broadcast %gt3A_212 : f32 to vector<16xf32>
      %gt3A_214 = arith.cmpf ogt, %get3A_211, %gt3A_213 : vector<16xf32>
      %lt3A_215 = arith.constant 0.000000e+00 : f32
      %lt3A_216 = vector.broadcast %lt3A_215 : f32 to vector<16xf32>
      %lt3A_217 = arith.cmpf olt, %get3A_211, %lt3A_216 : vector<16xf32>
      %jit3A_218 = arith.constant 12 : i32
      %jit3A_219 = arith.constant 0 : i32
      %broadcast_in_dim3A_220 = vector.broadcast %jit3A_218 : i32 to vector<16xi32>
      %broadcast_in_dim3A_221 = vector.broadcast %jit3A_219 : i32 to vector<16xi32>
      %select_n3A_222 = arith.select %lt3A_217, %broadcast_in_dim3A_220, %broadcast_in_dim3A_221 : vector<16xi1>, vector<16xi32>
      %jit3A_223 = arith.constant 4 : i32
      %broadcast_in_dim3A_224 = vector.broadcast %jit3A_223 : i32 to vector<16xi32>
      %select_n3A_225 = arith.select %gt3A_214, %broadcast_in_dim3A_224, %select_n3A_222 : vector<16xi1>, vector<16xi32>
      %abs3A_226 = math.absf %get3A_211 : vector<16xf32>
      %min3A_227 = arith.constant 7.000000e+00 : f32
      %min3A_228 = vector.broadcast %min3A_227 : f32 to vector<16xf32>
      %min3A_229 = arith.minimumf %abs3A_226, %min3A_228 : vector<16xf32>
      %convert_element_type3A_230 = arith.fptosi %min3A_229 : vector<16xf32> to vector<16xi32>
      %or3A_231 = arith.ori %select_n3A_225, %convert_element_type3A_230 : vector<16xi32>
      %mul3A_232 = arith.muli %or3A_231, %add3A_14 : vector<16xi32>
      %xor3A_233 = arith.xori %xor3A_208, %mul3A_232 : vector<16xi32>
      %get3A_234 = arith.index_cast %add3A_156 : i32 to index
      %get3A_235 = arith.constant 48 : index
      %get3A_236 = tpu.vector_load %arg6[%get3A_234, %get3A_235] {strides = array<i32>} : memref<256x128xf32, #tpu.memory_space<vmem>>, vector<16xf32>,
      %gt3A_237 = arith.constant 0.000000e+00 : f32
      %gt3A_238 = vector.broadcast %gt3A_237 : f32 to vector<16xf32>
      %gt3A_239 = arith.cmpf ogt, %get3A_236, %gt3A_238 : vector<16xf32>
      %lt3A_240 = arith.constant 0.000000e+00 : f32
      %lt3A_241 = vector.broadcast %lt3A_240 : f32 to vector<16xf32>
      %lt3A_242 = arith.cmpf olt, %get3A_236, %lt3A_241 : vector<16xf32>
      %jit3A_243 = arith.constant 12 : i32
      %jit3A_244 = arith.constant 0 : i32
      %broadcast_in_dim3A_245 = vector.broadcast %jit3A_243 : i32 to vector<16xi32>
      %broadcast_in_dim3A_246 = vector.broadcast %jit3A_244 : i32 to vector<16xi32>
      %select_n3A_247 = arith.select %lt3A_242, %broadcast_in_dim3A_245, %broadcast_in_dim3A_246 : vector<16xi1>, vector<16xi32>
      %jit3A_248 = arith.constant 4 : i32
      %broadcast_in_dim3A_249 = vector.broadcast %jit3A_248 : i32 to vector<16xi32>
      %select_n3A_250 = arith.select %gt3A_239, %broadcast_in_dim3A_249, %select_n3A_247 : vector<16xi1>, vector<16xi32>
      %abs3A_251 = math.absf %get3A_236 : vector<16xf32>
      %min3A_252 = arith.constant 7.000000e+00 : f32
      %min3A_253 = vector.broadcast %min3A_252 : f32 to vector<16xf32>
      %min3A_254 = arith.minimumf %abs3A_251, %min3A_253 : vector<16xf32>
      %convert_element_type3A_255 = arith.fptosi %min3A_254 : vector<16xf32> to vector<16xi32>
      %or3A_256 = arith.ori %select_n3A_250, %convert_element_type3A_255 : vector<16xi32>
      %mul3A_257 = arith.muli %or3A_256, %add3A_17 : vector<16xi32>
      %xor3A_258 = arith.xori %xor3A_233, %mul3A_257 : vector<16xi32>
      %mul3A_259 = arith.constant 16 : i32
      %mul3A_260 = arith.muli %add3A_156, %mul3A_259 : i32
      %swap3A_261 = arith.index_cast %mul3A_260 : i32 to index
      %swap3A_262 = tpu.vector_load %arg10[%swap3A_261] {strides = array<i32>} : memref<4096xi32, #tpu.memory_space<vmem>>, vector<16xi32>,
      tpu.vector_store %arg10[%swap3A_261], %broadcast_in_dim3A_18 {strides = array<i32>} : memref<4096xi32, #tpu.memory_space<vmem>>, vector<16xi32>,
      %add3A_263 = vector.broadcast %add3A_156 : i32 to vector<16xi32>
      %add3A_264 = arith.addi %mul3A_5, %add3A_263 : vector<16xi32>
      tpu.vector_store_idx %arg7[%add3A_264], %xor3A_258 : memref<4112xi32, #tpu.memory_space<vmem>>[vector<16xi32>], vector<16xi32>,
      %mul3A_265 = arith.constant 8 : i32
      %mul3A_266 = arith.muli %while3A_51, %mul3A_265 : i32
      %add3A_267 = arith.constant 2 : i32
      %add3A_268 = arith.addi %mul3A_266, %add3A_267 : i32
      %broadcast_in_dim3A_269 = arith.constant 0 : i32
      %broadcast_in_dim3A_270 = vector.broadcast %broadcast_in_dim3A_269 : i32 to vector<16xi32>
      %get3A_271 = arith.index_cast %add3A_268 : i32 to index
      %get3A_272 = arith.constant 0 : index
      %get3A_273 = tpu.vector_load %arg6[%get3A_271, %get3A_272] {strides = array<i32>} : memref<256x128xf32, #tpu.memory_space<vmem>>, vector<16xf32>,
      %gt3A_274 = arith.constant 0.000000e+00 : f32
      %gt3A_275 = vector.broadcast %gt3A_274 : f32 to vector<16xf32>
      %gt3A_276 = arith.cmpf ogt, %get3A_273, %gt3A_275 : vector<16xf32>
      %lt3A_277 = arith.constant 0.000000e+00 : f32
      %lt3A_278 = vector.broadcast %lt3A_277 : f32 to vector<16xf32>
      %lt3A_279 = arith.cmpf olt, %get3A_273, %lt3A_278 : vector<16xf32>
      %jit3A_280 = arith.constant 12 : i32
      %jit3A_281 = arith.constant 0 : i32
      %broadcast_in_dim3A_282 = vector.broadcast %jit3A_280 : i32 to vector<16xi32>
      %broadcast_in_dim3A_283 = vector.broadcast %jit3A_281 : i32 to vector<16xi32>
      %select_n3A_284 = arith.select %lt3A_279, %broadcast_in_dim3A_282, %broadcast_in_dim3A_283 : vector<16xi1>, vector<16xi32>
      %jit3A_285 = arith.constant 4 : i32
      %broadcast_in_dim3A_286 = vector.broadcast %jit3A_285 : i32 to vector<16xi32>
      %select_n3A_287 = arith.select %gt3A_276, %broadcast_in_dim3A_286, %select_n3A_284 : vector<16xi1>, vector<16xi32>
      %abs3A_288 = math.absf %get3A_273 : vector<16xf32>
      %min3A_289 = arith.constant 7.000000e+00 : f32
      %min3A_290 = vector.broadcast %min3A_289 : f32 to vector<16xf32>
      %min3A_291 = arith.minimumf %abs3A_288, %min3A_290 : vector<16xf32>
      %convert_element_type3A_292 = arith.fptosi %min3A_291 : vector<16xf32> to vector<16xi32>
      %or3A_293 = arith.ori %select_n3A_287, %convert_element_type3A_292 : vector<16xi32>
      %mul3A_294 = arith.muli %or3A_293, %add3A_8 : vector<16xi32>
      %xor3A_295 = arith.xori %broadcast_in_dim3A_270, %mul3A_294 : vector<16xi32>
      %get3A_296 = arith.index_cast %add3A_268 : i32 to index
      %get3A_297 = arith.constant 16 : index
      %get3A_298 = tpu.vector_load %arg6[%get3A_296, %get3A_297] {strides = array<i32>} : memref<256x128xf32, #tpu.memory_space<vmem>>, vector<16xf32>,
      %gt3A_299 = arith.constant 0.000000e+00 : f32
      %gt3A_300 = vector.broadcast %gt3A_299 : f32 to vector<16xf32>
      %gt3A_301 = arith.cmpf ogt, %get3A_298, %gt3A_300 : vector<16xf32>
      %lt3A_302 = arith.constant 0.000000e+00 : f32
      %lt3A_303 = vector.broadcast %lt3A_302 : f32 to vector<16xf32>
      %lt3A_304 = arith.cmpf olt, %get3A_298, %lt3A_303 : vector<16xf32>
      %jit3A_305 = arith.constant 12 : i32
      %jit3A_306 = arith.constant 0 : i32
      %broadcast_in_dim3A_307 = vector.broadcast %jit3A_305 : i32 to vector<16xi32>
      %broadcast_in_dim3A_308 = vector.broadcast %jit3A_306 : i32 to vector<16xi32>
      %select_n3A_309 = arith.select %lt3A_304, %broadcast_in_dim3A_307, %broadcast_in_dim3A_308 : vector<16xi1>, vector<16xi32>
      %jit3A_310 = arith.constant 4 : i32
      %broadcast_in_dim3A_311 = vector.broadcast %jit3A_310 : i32 to vector<16xi32>
      %select_n3A_312 = arith.select %gt3A_301, %broadcast_in_dim3A_311, %select_n3A_309 : vector<16xi1>, vector<16xi32>
      %abs3A_313 = math.absf %get3A_298 : vector<16xf32>
      %min3A_314 = arith.constant 7.000000e+00 : f32
      %min3A_315 = vector.broadcast %min3A_314 : f32 to vector<16xf32>
      %min3A_316 = arith.minimumf %abs3A_313, %min3A_315 : vector<16xf32>
      %convert_element_type3A_317 = arith.fptosi %min3A_316 : vector<16xf32> to vector<16xi32>
      %or3A_318 = arith.ori %select_n3A_312, %convert_element_type3A_317 : vector<16xi32>
      %mul3A_319 = arith.muli %or3A_318, %add3A_11 : vector<16xi32>
      %xor3A_320 = arith.xori %xor3A_295, %mul3A_319 : vector<16xi32>
      %get3A_321 = arith.index_cast %add3A_268 : i32 to index
      %get3A_322 = arith.constant 32 : index
      %get3A_323 = tpu.vector_load %arg6[%get3A_321, %get3A_322] {strides = array<i32>} : memref<256x128xf32, #tpu.memory_space<vmem>>, vector<16xf32>,
      %gt3A_324 = arith.constant 0.000000e+00 : f32
      %gt3A_325 = vector.broadcast %gt3A_324 : f32 to vector<16xf32>
      %gt3A_326 = arith.cmpf ogt, %get3A_323, %gt3A_325 : vector<16xf32>
      %lt3A_327 = arith.constant 0.000000e+00 : f32
      %lt3A_328 = vector.broadcast %lt3A_327 : f32 to vector<16xf32>
      %lt3A_329 = arith.cmpf olt, %get3A_323, %lt3A_328 : vector<16xf32>
      %jit3A_330 = arith.constant 12 : i32
      %jit3A_331 = arith.constant 0 : i32
      %broadcast_in_dim3A_332 = vector.broadcast %jit3A_330 : i32 to vector<16xi32>
      %broadcast_in_dim3A_333 = vector.broadcast %jit3A_331 : i32 to vector<16xi32>
      %select_n3A_334 = arith.select %lt3A_329, %broadcast_in_dim3A_332, %broadcast_in_dim3A_333 : vector<16xi1>, vector<16xi32>
      %jit3A_335 = arith.constant 4 : i32
      %broadcast_in_dim3A_336 = vector.broadcast %jit3A_335 : i32 to vector<16xi32>
      %select_n3A_337 = arith.select %gt3A_326, %broadcast_in_dim3A_336, %select_n3A_334 : vector<16xi1>, vector<16xi32>
      %abs3A_338 = math.absf %get3A_323 : vector<16xf32>
      %min3A_339 = arith.constant 7.000000e+00 : f32
      %min3A_340 = vector.broadcast %min3A_339 : f32 to vector<16xf32>
      %min3A_341 = arith.minimumf %abs3A_338, %min3A_340 : vector<16xf32>
      %convert_element_type3A_342 = arith.fptosi %min3A_341 : vector<16xf32> to vector<16xi32>
      %or3A_343 = arith.ori %select_n3A_337, %convert_element_type3A_342 : vector<16xi32>
      %mul3A_344 = arith.muli %or3A_343, %add3A_14 : vector<16xi32>
      %xor3A_345 = arith.xori %xor3A_320, %mul3A_344 : vector<16xi32>
      %get3A_346 = arith.index_cast %add3A_268 : i32 to index
      %get3A_347 = arith.constant 48 : index
      %get3A_348 = tpu.vector_load %arg6[%get3A_346, %get3A_347] {strides = array<i32>} : memref<256x128xf32, #tpu.memory_space<vmem>>, vector<16xf32>,
      %gt3A_349 = arith.constant 0.000000e+00 : f32
      %gt3A_350 = vector.broadcast %gt3A_349 : f32 to vector<16xf32>
      %gt3A_351 = arith.cmpf ogt, %get3A_348, %gt3A_350 : vector<16xf32>
      %lt3A_352 = arith.constant 0.000000e+00 : f32
      %lt3A_353 = vector.broadcast %lt3A_352 : f32 to vector<16xf32>
      %lt3A_354 = arith.cmpf olt, %get3A_348, %lt3A_353 : vector<16xf32>
      %jit3A_355 = arith.constant 12 : i32
      %jit3A_356 = arith.constant 0 : i32
      %broadcast_in_dim3A_357 = vector.broadcast %jit3A_355 : i32 to vector<16xi32>
      %broadcast_in_dim3A_358 = vector.broadcast %jit3A_356 : i32 to vector<16xi32>
      %select_n3A_359 = arith.select %lt3A_354, %broadcast_in_dim3A_357, %broadcast_in_dim3A_358 : vector<16xi1>, vector<16xi32>
      %jit3A_360 = arith.constant 4 : i32
      %broadcast_in_dim3A_361 = vector.broadcast %jit3A_360 : i32 to vector<16xi32>
      %select_n3A_362 = arith.select %gt3A_351, %broadcast_in_dim3A_361, %select_n3A_359 : vector<16xi1>, vector<16xi32>
      %abs3A_363 = math.absf %get3A_348 : vector<16xf32>
      %min3A_364 = arith.constant 7.000000e+00 : f32
      %min3A_365 = vector.broadcast %min3A_364 : f32 to vector<16xf32>
      %min3A_366 = arith.minimumf %abs3A_363, %min3A_365 : vector<16xf32>
      %convert_element_type3A_367 = arith.fptosi %min3A_366 : vector<16xf32> to vector<16xi32>
      %or3A_368 = arith.ori %select_n3A_362, %convert_element_type3A_367 : vector<16xi32>
      %mul3A_369 = arith.muli %or3A_368, %add3A_17 : vector<16xi32>
      %xor3A_370 = arith.xori %xor3A_345, %mul3A_369 : vector<16xi32>
      %mul3A_371 = arith.constant 16 : i32
      %mul3A_372 = arith.muli %add3A_268, %mul3A_371 : i32
      %swap3A_373 = arith.index_cast %mul3A_372 : i32 to index
      %swap3A_374 = tpu.vector_load %arg10[%swap3A_373] {strides = array<i32>} : memref<4096xi32, #tpu.memory_space<vmem>>, vector<16xi32>,
      tpu.vector_store %arg10[%swap3A_373], %broadcast_in_dim3A_18 {strides = array<i32>} : memref<4096xi32, #tpu.memory_space<vmem>>, vector<16xi32>,
      %add3A_375 = vector.broadcast %add3A_268 : i32 to vector<16xi32>
      %add3A_376 = arith.addi %mul3A_5, %add3A_375 : vector<16xi32>
      tpu.vector_store_idx %arg7[%add3A_376], %xor3A_370 : memref<4112xi32, #tpu.memory_space<vmem>>[vector<16xi32>], vector<16xi32>,
      %mul3A_377 = arith.constant 8 : i32
      %mul3A_378 = arith.muli %while3A_51, %mul3A_377 : i32
      %add3A_379 = arith.constant 3 : i32
      %add3A_380 = arith.addi %mul3A_378, %add3A_379 : i32
      %broadcast_in_dim3A_381 = arith.constant 0 : i32
      %broadcast_in_dim3A_382 = vector.broadcast %broadcast_in_dim3A_381 : i32 to vector<16xi32>
      %get3A_383 = arith.index_cast %add3A_380 : i32 to index
      %get3A_384 = arith.constant 0 : index
      %get3A_385 = tpu.vector_load %arg6[%get3A_383, %get3A_384] {strides = array<i32>} : memref<256x128xf32, #tpu.memory_space<vmem>>, vector<16xf32>,
      %gt3A_386 = arith.constant 0.000000e+00 : f32
      %gt3A_387 = vector.broadcast %gt3A_386 : f32 to vector<16xf32>
      %gt3A_388 = arith.cmpf ogt, %get3A_385, %gt3A_387 : vector<16xf32>
      %lt3A_389 = arith.constant 0.000000e+00 : f32
      %lt3A_390 = vector.broadcast %lt3A_389 : f32 to vector<16xf32>
      %lt3A_391 = arith.cmpf olt, %get3A_385, %lt3A_390 : vector<16xf32>
      %jit3A_392 = arith.constant 12 : i32
      %jit3A_393 = arith.constant 0 : i32
      %broadcast_in_dim3A_394 = vector.broadcast %jit3A_392 : i32 to vector<16xi32>
      %broadcast_in_dim3A_395 = vector.broadcast %jit3A_393 : i32 to vector<16xi32>
      %select_n3A_396 = arith.select %lt3A_391, %broadcast_in_dim3A_394, %broadcast_in_dim3A_395 : vector<16xi1>, vector<16xi32>
      %jit3A_397 = arith.constant 4 : i32
      %broadcast_in_dim3A_398 = vector.broadcast %jit3A_397 : i32 to vector<16xi32>
      %select_n3A_399 = arith.select %gt3A_388, %broadcast_in_dim3A_398, %select_n3A_396 : vector<16xi1>, vector<16xi32>
      %abs3A_400 = math.absf %get3A_385 : vector<16xf32>
      %min3A_401 = arith.constant 7.000000e+00 : f32
      %min3A_402 = vector.broadcast %min3A_401 : f32 to vector<16xf32>
      %min3A_403 = arith.minimumf %abs3A_400, %min3A_402 : vector<16xf32>
      %convert_element_type3A_404 = arith.fptosi %min3A_403 : vector<16xf32> to vector<16xi32>
      %or3A_405 = arith.ori %select_n3A_399, %convert_element_type3A_404 : vector<16xi32>
      %mul3A_406 = arith.muli %or3A_405, %add3A_8 : vector<16xi32>
      %xor3A_407 = arith.xori %broadcast_in_dim3A_382, %mul3A_406 : vector<16xi32>
      %get3A_408 = arith.index_cast %add3A_380 : i32 to index
      %get3A_409 = arith.constant 16 : index
      %get3A_410 = tpu.vector_load %arg6[%get3A_408, %get3A_409] {strides = array<i32>} : memref<256x128xf32, #tpu.memory_space<vmem>>, vector<16xf32>,
      %gt3A_411 = arith.constant 0.000000e+00 : f32
      %gt3A_412 = vector.broadcast %gt3A_411 : f32 to vector<16xf32>
      %gt3A_413 = arith.cmpf ogt, %get3A_410, %gt3A_412 : vector<16xf32>
      %lt3A_414 = arith.constant 0.000000e+00 : f32
      %lt3A_415 = vector.broadcast %lt3A_414 : f32 to vector<16xf32>
      %lt3A_416 = arith.cmpf olt, %get3A_410, %lt3A_415 : vector<16xf32>
      %jit3A_417 = arith.constant 12 : i32
      %jit3A_418 = arith.constant 0 : i32
      %broadcast_in_dim3A_419 = vector.broadcast %jit3A_417 : i32 to vector<16xi32>
      %broadcast_in_dim3A_420 = vector.broadcast %jit3A_418 : i32 to vector<16xi32>
      %select_n3A_421 = arith.select %lt3A_416, %broadcast_in_dim3A_419, %broadcast_in_dim3A_420 : vector<16xi1>, vector<16xi32>
      %jit3A_422 = arith.constant 4 : i32
      %broadcast_in_dim3A_423 = vector.broadcast %jit3A_422 : i32 to vector<16xi32>
      %select_n3A_424 = arith.select %gt3A_413, %broadcast_in_dim3A_423, %select_n3A_421 : vector<16xi1>, vector<16xi32>
      %abs3A_425 = math.absf %get3A_410 : vector<16xf32>
      %min3A_426 = arith.constant 7.000000e+00 : f32
      %min3A_427 = vector.broadcast %min3A_426 : f32 to vector<16xf32>
      %min3A_428 = arith.minimumf %abs3A_425, %min3A_427 : vector<16xf32>
      %convert_element_type3A_429 = arith.fptosi %min3A_428 : vector<16xf32> to vector<16xi32>
      %or3A_430 = arith.ori %select_n3A_424, %convert_element_type3A_429 : vector<16xi32>
      %mul3A_431 = arith.muli %or3A_430, %add3A_11 : vector<16xi32>
      %xor3A_432 = arith.xori %xor3A_407, %mul3A_431 : vector<16xi32>
      %get3A_433 = arith.index_cast %add3A_380 : i32 to index
      %get3A_434 = arith.constant 32 : index
      %get3A_435 = tpu.vector_load %arg6[%get3A_433, %get3A_434] {strides = array<i32>} : memref<256x128xf32, #tpu.memory_space<vmem>>, vector<16xf32>,
      %gt3A_436 = arith.constant 0.000000e+00 : f32
      %gt3A_437 = vector.broadcast %gt3A_436 : f32 to vector<16xf32>
      %gt3A_438 = arith.cmpf ogt, %get3A_435, %gt3A_437 : vector<16xf32>
      %lt3A_439 = arith.constant 0.000000e+00 : f32
      %lt3A_440 = vector.broadcast %lt3A_439 : f32 to vector<16xf32>
      %lt3A_441 = arith.cmpf olt, %get3A_435, %lt3A_440 : vector<16xf32>
      %jit3A_442 = arith.constant 12 : i32
      %jit3A_443 = arith.constant 0 : i32
      %broadcast_in_dim3A_444 = vector.broadcast %jit3A_442 : i32 to vector<16xi32>
      %broadcast_in_dim3A_445 = vector.broadcast %jit3A_443 : i32 to vector<16xi32>
      %select_n3A_446 = arith.select %lt3A_441, %broadcast_in_dim3A_444, %broadcast_in_dim3A_445 : vector<16xi1>, vector<16xi32>
      %jit3A_447 = arith.constant 4 : i32
      %broadcast_in_dim3A_448 = vector.broadcast %jit3A_447 : i32 to vector<16xi32>
      %select_n3A_449 = arith.select %gt3A_438, %broadcast_in_dim3A_448, %select_n3A_446 : vector<16xi1>, vector<16xi32>
      %abs3A_450 = math.absf %get3A_435 : vector<16xf32>
      %min3A_451 = arith.constant 7.000000e+00 : f32
      %min3A_452 = vector.broadcast %min3A_451 : f32 to vector<16xf32>
      %min3A_453 = arith.minimumf %abs3A_450, %min3A_452 : vector<16xf32>
      %convert_element_type3A_454 = arith.fptosi %min3A_453 : vector<16xf32> to vector<16xi32>
      %or3A_455 = arith.ori %select_n3A_449, %convert_element_type3A_454 : vector<16xi32>
      %mul3A_456 = arith.muli %or3A_455, %add3A_14 : vector<16xi32>
      %xor3A_457 = arith.xori %xor3A_432, %mul3A_456 : vector<16xi32>
      %get3A_458 = arith.index_cast %add3A_380 : i32 to index
      %get3A_459 = arith.constant 48 : index
      %get3A_460 = tpu.vector_load %arg6[%get3A_458, %get3A_459] {strides = array<i32>} : memref<256x128xf32, #tpu.memory_space<vmem>>, vector<16xf32>,
      %gt3A_461 = arith.constant 0.000000e+00 : f32
      %gt3A_462 = vector.broadcast %gt3A_461 : f32 to vector<16xf32>
      %gt3A_463 = arith.cmpf ogt, %get3A_460, %gt3A_462 : vector<16xf32>
      %lt3A_464 = arith.constant 0.000000e+00 : f32
      %lt3A_465 = vector.broadcast %lt3A_464 : f32 to vector<16xf32>
      %lt3A_466 = arith.cmpf olt, %get3A_460, %lt3A_465 : vector<16xf32>
      %jit3A_467 = arith.constant 12 : i32
      %jit3A_468 = arith.constant 0 : i32
      %broadcast_in_dim3A_469 = vector.broadcast %jit3A_467 : i32 to vector<16xi32>
      %broadcast_in_dim3A_470 = vector.broadcast %jit3A_468 : i32 to vector<16xi32>
      %select_n3A_471 = arith.select %lt3A_466, %broadcast_in_dim3A_469, %broadcast_in_dim3A_470 : vector<16xi1>, vector<16xi32>
      %jit3A_472 = arith.constant 4 : i32
      %broadcast_in_dim3A_473 = vector.broadcast %jit3A_472 : i32 to vector<16xi32>
      %select_n3A_474 = arith.select %gt3A_463, %broadcast_in_dim3A_473, %select_n3A_471 : vector<16xi1>, vector<16xi32>
      %abs3A_475 = math.absf %get3A_460 : vector<16xf32>
      %min3A_476 = arith.constant 7.000000e+00 : f32
      %min3A_477 = vector.broadcast %min3A_476 : f32 to vector<16xf32>
      %min3A_478 = arith.minimumf %abs3A_475, %min3A_477 : vector<16xf32>
      %convert_element_type3A_479 = arith.fptosi %min3A_478 : vector<16xf32> to vector<16xi32>
      %or3A_480 = arith.ori %select_n3A_474, %convert_element_type3A_479 : vector<16xi32>
      %mul3A_481 = arith.muli %or3A_480, %add3A_17 : vector<16xi32>
      %xor3A_482 = arith.xori %xor3A_457, %mul3A_481 : vector<16xi32>
      %mul3A_483 = arith.constant 16 : i32
      %mul3A_484 = arith.muli %add3A_380, %mul3A_483 : i32
      %swap3A_485 = arith.index_cast %mul3A_484 : i32 to index
      %swap3A_486 = tpu.vector_load %arg10[%swap3A_485] {strides = array<i32>} : memref<4096xi32, #tpu.memory_space<vmem>>, vector<16xi32>,
      tpu.vector_store %arg10[%swap3A_485], %broadcast_in_dim3A_18 {strides = array<i32>} : memref<4096xi32, #tpu.memory_space<vmem>>, vector<16xi32>,
      %add3A_487 = vector.broadcast %add3A_380 : i32 to vector<16xi32>
      %add3A_488 = arith.addi %mul3A_5, %add3A_487 : vector<16xi32>
      tpu.vector_store_idx %arg7[%add3A_488], %xor3A_482 : memref<4112xi32, #tpu.memory_space<vmem>>[vector<16xi32>], vector<16xi32>,
      %mul3A_489 = arith.constant 8 : i32
      %mul3A_490 = arith.muli %while3A_51, %mul3A_489 : i32
      %add3A_491 = arith.constant 4 : i32
      %add3A_492 = arith.addi %mul3A_490, %add3A_491 : i32
      %broadcast_in_dim3A_493 = arith.constant 0 : i32
      %broadcast_in_dim3A_494 = vector.broadcast %broadcast_in_dim3A_493 : i32 to vector<16xi32>
      %get3A_495 = arith.index_cast %add3A_492 : i32 to index
      %get3A_496 = arith.constant 0 : index
      %get3A_497 = tpu.vector_load %arg6[%get3A_495, %get3A_496] {strides = array<i32>} : memref<256x128xf32, #tpu.memory_space<vmem>>, vector<16xf32>,
      %gt3A_498 = arith.constant 0.000000e+00 : f32
      %gt3A_499 = vector.broadcast %gt3A_498 : f32 to vector<16xf32>
      %gt3A_500 = arith.cmpf ogt, %get3A_497, %gt3A_499 : vector<16xf32>
      %lt3A_501 = arith.constant 0.000000e+00 : f32
      %lt3A_502 = vector.broadcast %lt3A_501 : f32 to vector<16xf32>
      %lt3A_503 = arith.cmpf olt, %get3A_497, %lt3A_502 : vector<16xf32>
      %jit3A_504 = arith.constant 12 : i32
      %jit3A_505 = arith.constant 0 : i32
      %broadcast_in_dim3A_506 = vector.broadcast %jit3A_504 : i32 to vector<16xi32>
      %broadcast_in_dim3A_507 = vector.broadcast %jit3A_505 : i32 to vector<16xi32>
      %select_n3A_508 = arith.select %lt3A_503, %broadcast_in_dim3A_506, %broadcast_in_dim3A_507 : vector<16xi1>, vector<16xi32>
      %jit3A_509 = arith.constant 4 : i32
      %broadcast_in_dim3A_510 = vector.broadcast %jit3A_509 : i32 to vector<16xi32>
      %select_n3A_511 = arith.select %gt3A_500, %broadcast_in_dim3A_510, %select_n3A_508 : vector<16xi1>, vector<16xi32>
      %abs3A_512 = math.absf %get3A_497 : vector<16xf32>
      %min3A_513 = arith.constant 7.000000e+00 : f32
      %min3A_514 = vector.broadcast %min3A_513 : f32 to vector<16xf32>
      %min3A_515 = arith.minimumf %abs3A_512, %min3A_514 : vector<16xf32>
      %convert_element_type3A_516 = arith.fptosi %min3A_515 : vector<16xf32> to vector<16xi32>
      %or3A_517 = arith.ori %select_n3A_511, %convert_element_type3A_516 : vector<16xi32>
      %mul3A_518 = arith.muli %or3A_517, %add3A_8 : vector<16xi32>
      %xor3A_519 = arith.xori %broadcast_in_dim3A_494, %mul3A_518 : vector<16xi32>
      %get3A_520 = arith.index_cast %add3A_492 : i32 to index
      %get3A_521 = arith.constant 16 : index
      %get3A_522 = tpu.vector_load %arg6[%get3A_520, %get3A_521] {strides = array<i32>} : memref<256x128xf32, #tpu.memory_space<vmem>>, vector<16xf32>,
      %gt3A_523 = arith.constant 0.000000e+00 : f32
      %gt3A_524 = vector.broadcast %gt3A_523 : f32 to vector<16xf32>
      %gt3A_525 = arith.cmpf ogt, %get3A_522, %gt3A_524 : vector<16xf32>
      %lt3A_526 = arith.constant 0.000000e+00 : f32
      %lt3A_527 = vector.broadcast %lt3A_526 : f32 to vector<16xf32>
      %lt3A_528 = arith.cmpf olt, %get3A_522, %lt3A_527 : vector<16xf32>
      %jit3A_529 = arith.constant 12 : i32
      %jit3A_530 = arith.constant 0 : i32
      %broadcast_in_dim3A_531 = vector.broadcast %jit3A_529 : i32 to vector<16xi32>
      %broadcast_in_dim3A_532 = vector.broadcast %jit3A_530 : i32 to vector<16xi32>
      %select_n3A_533 = arith.select %lt3A_528, %broadcast_in_dim3A_531, %broadcast_in_dim3A_532 : vector<16xi1>, vector<16xi32>
      %jit3A_534 = arith.constant 4 : i32
      %broadcast_in_dim3A_535 = vector.broadcast %jit3A_534 : i32 to vector<16xi32>
      %select_n3A_536 = arith.select %gt3A_525, %broadcast_in_dim3A_535, %select_n3A_533 : vector<16xi1>, vector<16xi32>
      %abs3A_537 = math.absf %get3A_522 : vector<16xf32>
      %min3A_538 = arith.constant 7.000000e+00 : f32
      %min3A_539 = vector.broadcast %min3A_538 : f32 to vector<16xf32>
      %min3A_540 = arith.minimumf %abs3A_537, %min3A_539 : vector<16xf32>
      %convert_element_type3A_541 = arith.fptosi %min3A_540 : vector<16xf32> to vector<16xi32>
      %or3A_542 = arith.ori %select_n3A_536, %convert_element_type3A_541 : vector<16xi32>
      %mul3A_543 = arith.muli %or3A_542, %add3A_11 : vector<16xi32>
      %xor3A_544 = arith.xori %xor3A_519, %mul3A_543 : vector<16xi32>
      %get3A_545 = arith.index_cast %add3A_492 : i32 to index
      %get3A_546 = arith.constant 32 : index
      %get3A_547 = tpu.vector_load %arg6[%get3A_545, %get3A_546] {strides = array<i32>} : memref<256x128xf32, #tpu.memory_space<vmem>>, vector<16xf32>,
      %gt3A_548 = arith.constant 0.000000e+00 : f32
      %gt3A_549 = vector.broadcast %gt3A_548 : f32 to vector<16xf32>
      %gt3A_550 = arith.cmpf ogt, %get3A_547, %gt3A_549 : vector<16xf32>
      %lt3A_551 = arith.constant 0.000000e+00 : f32
      %lt3A_552 = vector.broadcast %lt3A_551 : f32 to vector<16xf32>
      %lt3A_553 = arith.cmpf olt, %get3A_547, %lt3A_552 : vector<16xf32>
      %jit3A_554 = arith.constant 12 : i32
      %jit3A_555 = arith.constant 0 : i32
      %broadcast_in_dim3A_556 = vector.broadcast %jit3A_554 : i32 to vector<16xi32>
      %broadcast_in_dim3A_557 = vector.broadcast %jit3A_555 : i32 to vector<16xi32>
      %select_n3A_558 = arith.select %lt3A_553, %broadcast_in_dim3A_556, %broadcast_in_dim3A_557 : vector<16xi1>, vector<16xi32>
      %jit3A_559 = arith.constant 4 : i32
      %broadcast_in_dim3A_560 = vector.broadcast %jit3A_559 : i32 to vector<16xi32>
      %select_n3A_561 = arith.select %gt3A_550, %broadcast_in_dim3A_560, %select_n3A_558 : vector<16xi1>, vector<16xi32>
      %abs3A_562 = math.absf %get3A_547 : vector<16xf32>
      %min3A_563 = arith.constant 7.000000e+00 : f32
      %min3A_564 = vector.broadcast %min3A_563 : f32 to vector<16xf32>
      %min3A_565 = arith.minimumf %abs3A_562, %min3A_564 : vector<16xf32>
      %convert_element_type3A_566 = arith.fptosi %min3A_565 : vector<16xf32> to vector<16xi32>
      %or3A_567 = arith.ori %select_n3A_561, %convert_element_type3A_566 : vector<16xi32>
      %mul3A_568 = arith.muli %or3A_567, %add3A_14 : vector<16xi32>
      %xor3A_569 = arith.xori %xor3A_544, %mul3A_568 : vector<16xi32>
      %get3A_570 = arith.index_cast %add3A_492 : i32 to index
      %get3A_571 = arith.constant 48 : index
      %get3A_572 = tpu.vector_load %arg6[%get3A_570, %get3A_571] {strides = array<i32>} : memref<256x128xf32, #tpu.memory_space<vmem>>, vector<16xf32>,
      %gt3A_573 = arith.constant 0.000000e+00 : f32
      %gt3A_574 = vector.broadcast %gt3A_573 : f32 to vector<16xf32>
      %gt3A_575 = arith.cmpf ogt, %get3A_572, %gt3A_574 : vector<16xf32>
      %lt3A_576 = arith.constant 0.000000e+00 : f32
      %lt3A_577 = vector.broadcast %lt3A_576 : f32 to vector<16xf32>
      %lt3A_578 = arith.cmpf olt, %get3A_572, %lt3A_577 : vector<16xf32>
      %jit3A_579 = arith.constant 12 : i32
      %jit3A_580 = arith.constant 0 : i32
      %broadcast_in_dim3A_581 = vector.broadcast %jit3A_579 : i32 to vector<16xi32>
      %broadcast_in_dim3A_582 = vector.broadcast %jit3A_580 : i32 to vector<16xi32>
      %select_n3A_583 = arith.select %lt3A_578, %broadcast_in_dim3A_581, %broadcast_in_dim3A_582 : vector<16xi1>, vector<16xi32>
      %jit3A_584 = arith.constant 4 : i32
      %broadcast_in_dim3A_585 = vector.broadcast %jit3A_584 : i32 to vector<16xi32>
      %select_n3A_586 = arith.select %gt3A_575, %broadcast_in_dim3A_585, %select_n3A_583 : vector<16xi1>, vector<16xi32>
      %abs3A_587 = math.absf %get3A_572 : vector<16xf32>
      %min3A_588 = arith.constant 7.000000e+00 : f32
      %min3A_589 = vector.broadcast %min3A_588 : f32 to vector<16xf32>
      %min3A_590 = arith.minimumf %abs3A_587, %min3A_589 : vector<16xf32>
      %convert_element_type3A_591 = arith.fptosi %min3A_590 : vector<16xf32> to vector<16xi32>
      %or3A_592 = arith.ori %select_n3A_586, %convert_element_type3A_591 : vector<16xi32>
      %mul3A_593 = arith.muli %or3A_592, %add3A_17 : vector<16xi32>
      %xor3A_594 = arith.xori %xor3A_569, %mul3A_593 : vector<16xi32>
      %mul3A_595 = arith.constant 16 : i32
      %mul3A_596 = arith.muli %add3A_492, %mul3A_595 : i32
      %swap3A_597 = arith.index_cast %mul3A_596 : i32 to index
      %swap3A_598 = tpu.vector_load %arg10[%swap3A_597] {strides = array<i32>} : memref<4096xi32, #tpu.memory_space<vmem>>, vector<16xi32>,
      tpu.vector_store %arg10[%swap3A_597], %broadcast_in_dim3A_18 {strides = array<i32>} : memref<4096xi32, #tpu.memory_space<vmem>>, vector<16xi32>,
      %add3A_599 = vector.broadcast %add3A_492 : i32 to vector<16xi32>
      %add3A_600 = arith.addi %mul3A_5, %add3A_599 : vector<16xi32>
      tpu.vector_store_idx %arg7[%add3A_600], %xor3A_594 : memref<4112xi32, #tpu.memory_space<vmem>>[vector<16xi32>], vector<16xi32>,
      %mul3A_601 = arith.constant 8 : i32
      %mul3A_602 = arith.muli %while3A_51, %mul3A_601 : i32
      %add3A_603 = arith.constant 5 : i32
      %add3A_604 = arith.addi %mul3A_602, %add3A_603 : i32
      %broadcast_in_dim3A_605 = arith.constant 0 : i32
      %broadcast_in_dim3A_606 = vector.broadcast %broadcast_in_dim3A_605 : i32 to vector<16xi32>
      %get3A_607 = arith.index_cast %add3A_604 : i32 to index
      %get3A_608 = arith.constant 0 : index
      %get3A_609 = tpu.vector_load %arg6[%get3A_607, %get3A_608] {strides = array<i32>} : memref<256x128xf32, #tpu.memory_space<vmem>>, vector<16xf32>,
      %gt3A_610 = arith.constant 0.000000e+00 : f32
      %gt3A_611 = vector.broadcast %gt3A_610 : f32 to vector<16xf32>
      %gt3A_612 = arith.cmpf ogt, %get3A_609, %gt3A_611 : vector<16xf32>
      %lt3A_613 = arith.constant 0.000000e+00 : f32
      %lt3A_614 = vector.broadcast %lt3A_613 : f32 to vector<16xf32>
      %lt3A_615 = arith.cmpf olt, %get3A_609, %lt3A_614 : vector<16xf32>
      %jit3A_616 = arith.constant 12 : i32
      %jit3A_617 = arith.constant 0 : i32
      %broadcast_in_dim3A_618 = vector.broadcast %jit3A_616 : i32 to vector<16xi32>
      %broadcast_in_dim3A_619 = vector.broadcast %jit3A_617 : i32 to vector<16xi32>
      %select_n3A_620 = arith.select %lt3A_615, %broadcast_in_dim3A_618, %broadcast_in_dim3A_619 : vector<16xi1>, vector<16xi32>
      %jit3A_621 = arith.constant 4 : i32
      %broadcast_in_dim3A_622 = vector.broadcast %jit3A_621 : i32 to vector<16xi32>
      %select_n3A_623 = arith.select %gt3A_612, %broadcast_in_dim3A_622, %select_n3A_620 : vector<16xi1>, vector<16xi32>
      %abs3A_624 = math.absf %get3A_609 : vector<16xf32>
      %min3A_625 = arith.constant 7.000000e+00 : f32
      %min3A_626 = vector.broadcast %min3A_625 : f32 to vector<16xf32>
      %min3A_627 = arith.minimumf %abs3A_624, %min3A_626 : vector<16xf32>
      %convert_element_type3A_628 = arith.fptosi %min3A_627 : vector<16xf32> to vector<16xi32>
      %or3A_629 = arith.ori %select_n3A_623, %convert_element_type3A_628 : vector<16xi32>
      %mul3A_630 = arith.muli %or3A_629, %add3A_8 : vector<16xi32>
      %xor3A_631 = arith.xori %broadcast_in_dim3A_606, %mul3A_630 : vector<16xi32>
      %get3A_632 = arith.index_cast %add3A_604 : i32 to index
      %get3A_633 = arith.constant 16 : index
      %get3A_634 = tpu.vector_load %arg6[%get3A_632, %get3A_633] {strides = array<i32>} : memref<256x128xf32, #tpu.memory_space<vmem>>, vector<16xf32>,
      %gt3A_635 = arith.constant 0.000000e+00 : f32
      %gt3A_636 = vector.broadcast %gt3A_635 : f32 to vector<16xf32>
      %gt3A_637 = arith.cmpf ogt, %get3A_634, %gt3A_636 : vector<16xf32>
      %lt3A_638 = arith.constant 0.000000e+00 : f32
      %lt3A_639 = vector.broadcast %lt3A_638 : f32 to vector<16xf32>
      %lt3A_640 = arith.cmpf olt, %get3A_634, %lt3A_639 : vector<16xf32>
      %jit3A_641 = arith.constant 12 : i32
      %jit3A_642 = arith.constant 0 : i32
      %broadcast_in_dim3A_643 = vector.broadcast %jit3A_641 : i32 to vector<16xi32>
      %broadcast_in_dim3A_644 = vector.broadcast %jit3A_642 : i32 to vector<16xi32>
      %select_n3A_645 = arith.select %lt3A_640, %broadcast_in_dim3A_643, %broadcast_in_dim3A_644 : vector<16xi1>, vector<16xi32>
      %jit3A_646 = arith.constant 4 : i32
      %broadcast_in_dim3A_647 = vector.broadcast %jit3A_646 : i32 to vector<16xi32>
      %select_n3A_648 = arith.select %gt3A_637, %broadcast_in_dim3A_647, %select_n3A_645 : vector<16xi1>, vector<16xi32>
      %abs3A_649 = math.absf %get3A_634 : vector<16xf32>
      %min3A_650 = arith.constant 7.000000e+00 : f32
      %min3A_651 = vector.broadcast %min3A_650 : f32 to vector<16xf32>
      %min3A_652 = arith.minimumf %abs3A_649, %min3A_651 : vector<16xf32>
      %convert_element_type3A_653 = arith.fptosi %min3A_652 : vector<16xf32> to vector<16xi32>
      %or3A_654 = arith.ori %select_n3A_648, %convert_element_type3A_653 : vector<16xi32>
      %mul3A_655 = arith.muli %or3A_654, %add3A_11 : vector<16xi32>
      %xor3A_656 = arith.xori %xor3A_631, %mul3A_655 : vector<16xi32>
      %get3A_657 = arith.index_cast %add3A_604 : i32 to index
      %get3A_658 = arith.constant 32 : index
      %get3A_659 = tpu.vector_load %arg6[%get3A_657, %get3A_658] {strides = array<i32>} : memref<256x128xf32, #tpu.memory_space<vmem>>, vector<16xf32>,
      %gt3A_660 = arith.constant 0.000000e+00 : f32
      %gt3A_661 = vector.broadcast %gt3A_660 : f32 to vector<16xf32>
      %gt3A_662 = arith.cmpf ogt, %get3A_659, %gt3A_661 : vector<16xf32>
      %lt3A_663 = arith.constant 0.000000e+00 : f32
      %lt3A_664 = vector.broadcast %lt3A_663 : f32 to vector<16xf32>
      %lt3A_665 = arith.cmpf olt, %get3A_659, %lt3A_664 : vector<16xf32>
      %jit3A_666 = arith.constant 12 : i32
      %jit3A_667 = arith.constant 0 : i32
      %broadcast_in_dim3A_668 = vector.broadcast %jit3A_666 : i32 to vector<16xi32>
      %broadcast_in_dim3A_669 = vector.broadcast %jit3A_667 : i32 to vector<16xi32>
      %select_n3A_670 = arith.select %lt3A_665, %broadcast_in_dim3A_668, %broadcast_in_dim3A_669 : vector<16xi1>, vector<16xi32>
      %jit3A_671 = arith.constant 4 : i32
      %broadcast_in_dim3A_672 = vector.broadcast %jit3A_671 : i32 to vector<16xi32>
      %select_n3A_673 = arith.select %gt3A_662, %broadcast_in_dim3A_672, %select_n3A_670 : vector<16xi1>, vector<16xi32>
      %abs3A_674 = math.absf %get3A_659 : vector<16xf32>
      %min3A_675 = arith.constant 7.000000e+00 : f32
      %min3A_676 = vector.broadcast %min3A_675 : f32 to vector<16xf32>
      %min3A_677 = arith.minimumf %abs3A_674, %min3A_676 : vector<16xf32>
      %convert_element_type3A_678 = arith.fptosi %min3A_677 : vector<16xf32> to vector<16xi32>
      %or3A_679 = arith.ori %select_n3A_673, %convert_element_type3A_678 : vector<16xi32>
      %mul3A_680 = arith.muli %or3A_679, %add3A_14 : vector<16xi32>
      %xor3A_681 = arith.xori %xor3A_656, %mul3A_680 : vector<16xi32>
      %get3A_682 = arith.index_cast %add3A_604 : i32 to index
      %get3A_683 = arith.constant 48 : index
      %get3A_684 = tpu.vector_load %arg6[%get3A_682, %get3A_683] {strides = array<i32>} : memref<256x128xf32, #tpu.memory_space<vmem>>, vector<16xf32>,
      %gt3A_685 = arith.constant 0.000000e+00 : f32
      %gt3A_686 = vector.broadcast %gt3A_685 : f32 to vector<16xf32>
      %gt3A_687 = arith.cmpf ogt, %get3A_684, %gt3A_686 : vector<16xf32>
      %lt3A_688 = arith.constant 0.000000e+00 : f32
      %lt3A_689 = vector.broadcast %lt3A_688 : f32 to vector<16xf32>
      %lt3A_690 = arith.cmpf olt, %get3A_684, %lt3A_689 : vector<16xf32>
      %jit3A_691 = arith.constant 12 : i32
      %jit3A_692 = arith.constant 0 : i32
      %broadcast_in_dim3A_693 = vector.broadcast %jit3A_691 : i32 to vector<16xi32>
      %broadcast_in_dim3A_694 = vector.broadcast %jit3A_692 : i32 to vector<16xi32>
      %select_n3A_695 = arith.select %lt3A_690, %broadcast_in_dim3A_693, %broadcast_in_dim3A_694 : vector<16xi1>, vector<16xi32>
      %jit3A_696 = arith.constant 4 : i32
      %broadcast_in_dim3A_697 = vector.broadcast %jit3A_696 : i32 to vector<16xi32>
      %select_n3A_698 = arith.select %gt3A_687, %broadcast_in_dim3A_697, %select_n3A_695 : vector<16xi1>, vector<16xi32>
      %abs3A_699 = math.absf %get3A_684 : vector<16xf32>
      %min3A_700 = arith.constant 7.000000e+00 : f32
      %min3A_701 = vector.broadcast %min3A_700 : f32 to vector<16xf32>
      %min3A_702 = arith.minimumf %abs3A_699, %min3A_701 : vector<16xf32>
      %convert_element_type3A_703 = arith.fptosi %min3A_702 : vector<16xf32> to vector<16xi32>
      %or3A_704 = arith.ori %select_n3A_698, %convert_element_type3A_703 : vector<16xi32>
      %mul3A_705 = arith.muli %or3A_704, %add3A_17 : vector<16xi32>
      %xor3A_706 = arith.xori %xor3A_681, %mul3A_705 : vector<16xi32>
      %mul3A_707 = arith.constant 16 : i32
      %mul3A_708 = arith.muli %add3A_604, %mul3A_707 : i32
      %swap3A_709 = arith.index_cast %mul3A_708 : i32 to index
      %swap3A_710 = tpu.vector_load %arg10[%swap3A_709] {strides = array<i32>} : memref<4096xi32, #tpu.memory_space<vmem>>, vector<16xi32>,
      tpu.vector_store %arg10[%swap3A_709], %broadcast_in_dim3A_18 {strides = array<i32>} : memref<4096xi32, #tpu.memory_space<vmem>>, vector<16xi32>,
      %add3A_711 = vector.broadcast %add3A_604 : i32 to vector<16xi32>
      %add3A_712 = arith.addi %mul3A_5, %add3A_711 : vector<16xi32>
      tpu.vector_store_idx %arg7[%add3A_712], %xor3A_706 : memref<4112xi32, #tpu.memory_space<vmem>>[vector<16xi32>], vector<16xi32>,
      %mul3A_713 = arith.constant 8 : i32
      %mul3A_714 = arith.muli %while3A_51, %mul3A_713 : i32
      %add3A_715 = arith.constant 6 : i32
      %add3A_716 = arith.addi %mul3A_714, %add3A_715 : i32
      %broadcast_in_dim3A_717 = arith.constant 0 : i32
      %broadcast_in_dim3A_718 = vector.broadcast %broadcast_in_dim3A_717 : i32 to vector<16xi32>
      %get3A_719 = arith.index_cast %add3A_716 : i32 to index
      %get3A_720 = arith.constant 0 : index
      %get3A_721 = tpu.vector_load %arg6[%get3A_719, %get3A_720] {strides = array<i32>} : memref<256x128xf32, #tpu.memory_space<vmem>>, vector<16xf32>,
      %gt3A_722 = arith.constant 0.000000e+00 : f32
      %gt3A_723 = vector.broadcast %gt3A_722 : f32 to vector<16xf32>
      %gt3A_724 = arith.cmpf ogt, %get3A_721, %gt3A_723 : vector<16xf32>
      %lt3A_725 = arith.constant 0.000000e+00 : f32
      %lt3A_726 = vector.broadcast %lt3A_725 : f32 to vector<16xf32>
      %lt3A_727 = arith.cmpf olt, %get3A_721, %lt3A_726 : vector<16xf32>
      %jit3A_728 = arith.constant 12 : i32
      %jit3A_729 = arith.constant 0 : i32
      %broadcast_in_dim3A_730 = vector.broadcast %jit3A_728 : i32 to vector<16xi32>
      %broadcast_in_dim3A_731 = vector.broadcast %jit3A_729 : i32 to vector<16xi32>
      %select_n3A_732 = arith.select %lt3A_727, %broadcast_in_dim3A_730, %broadcast_in_dim3A_731 : vector<16xi1>, vector<16xi32>
      %jit3A_733 = arith.constant 4 : i32
      %broadcast_in_dim3A_734 = vector.broadcast %jit3A_733 : i32 to vector<16xi32>
      %select_n3A_735 = arith.select %gt3A_724, %broadcast_in_dim3A_734, %select_n3A_732 : vector<16xi1>, vector<16xi32>
      %abs3A_736 = math.absf %get3A_721 : vector<16xf32>
      %min3A_737 = arith.constant 7.000000e+00 : f32
      %min3A_738 = vector.broadcast %min3A_737 : f32 to vector<16xf32>
      %min3A_739 = arith.minimumf %abs3A_736, %min3A_738 : vector<16xf32>
      %convert_element_type3A_740 = arith.fptosi %min3A_739 : vector<16xf32> to vector<16xi32>
      %or3A_741 = arith.ori %select_n3A_735, %convert_element_type3A_740 : vector<16xi32>
      %mul3A_742 = arith.muli %or3A_741, %add3A_8 : vector<16xi32>
      %xor3A_743 = arith.xori %broadcast_in_dim3A_718, %mul3A_742 : vector<16xi32>
      %get3A_744 = arith.index_cast %add3A_716 : i32 to index
      %get3A_745 = arith.constant 16 : index
      %get3A_746 = tpu.vector_load %arg6[%get3A_744, %get3A_745] {strides = array<i32>} : memref<256x128xf32, #tpu.memory_space<vmem>>, vector<16xf32>,
      %gt3A_747 = arith.constant 0.000000e+00 : f32
      %gt3A_748 = vector.broadcast %gt3A_747 : f32 to vector<16xf32>
      %gt3A_749 = arith.cmpf ogt, %get3A_746, %gt3A_748 : vector<16xf32>
      %lt3A_750 = arith.constant 0.000000e+00 : f32
      %lt3A_751 = vector.broadcast %lt3A_750 : f32 to vector<16xf32>
      %lt3A_752 = arith.cmpf olt, %get3A_746, %lt3A_751 : vector<16xf32>
      %jit3A_753 = arith.constant 12 : i32
      %jit3A_754 = arith.constant 0 : i32
      %broadcast_in_dim3A_755 = vector.broadcast %jit3A_753 : i32 to vector<16xi32>
      %broadcast_in_dim3A_756 = vector.broadcast %jit3A_754 : i32 to vector<16xi32>
      %select_n3A_757 = arith.select %lt3A_752, %broadcast_in_dim3A_755, %broadcast_in_dim3A_756 : vector<16xi1>, vector<16xi32>
      %jit3A_758 = arith.constant 4 : i32
      %broadcast_in_dim3A_759 = vector.broadcast %jit3A_758 : i32 to vector<16xi32>
      %select_n3A_760 = arith.select %gt3A_749, %broadcast_in_dim3A_759, %select_n3A_757 : vector<16xi1>, vector<16xi32>
      %abs3A_761 = math.absf %get3A_746 : vector<16xf32>
      %min3A_762 = arith.constant 7.000000e+00 : f32
      %min3A_763 = vector.broadcast %min3A_762 : f32 to vector<16xf32>
      %min3A_764 = arith.minimumf %abs3A_761, %min3A_763 : vector<16xf32>
      %convert_element_type3A_765 = arith.fptosi %min3A_764 : vector<16xf32> to vector<16xi32>
      %or3A_766 = arith.ori %select_n3A_760, %convert_element_type3A_765 : vector<16xi32>
      %mul3A_767 = arith.muli %or3A_766, %add3A_11 : vector<16xi32>
      %xor3A_768 = arith.xori %xor3A_743, %mul3A_767 : vector<16xi32>
      %get3A_769 = arith.index_cast %add3A_716 : i32 to index
      %get3A_770 = arith.constant 32 : index
      %get3A_771 = tpu.vector_load %arg6[%get3A_769, %get3A_770] {strides = array<i32>} : memref<256x128xf32, #tpu.memory_space<vmem>>, vector<16xf32>,
      %gt3A_772 = arith.constant 0.000000e+00 : f32
      %gt3A_773 = vector.broadcast %gt3A_772 : f32 to vector<16xf32>
      %gt3A_774 = arith.cmpf ogt, %get3A_771, %gt3A_773 : vector<16xf32>
      %lt3A_775 = arith.constant 0.000000e+00 : f32
      %lt3A_776 = vector.broadcast %lt3A_775 : f32 to vector<16xf32>
      %lt3A_777 = arith.cmpf olt, %get3A_771, %lt3A_776 : vector<16xf32>
      %jit3A_778 = arith.constant 12 : i32
      %jit3A_779 = arith.constant 0 : i32
      %broadcast_in_dim3A_780 = vector.broadcast %jit3A_778 : i32 to vector<16xi32>
      %broadcast_in_dim3A_781 = vector.broadcast %jit3A_779 : i32 to vector<16xi32>
      %select_n3A_782 = arith.select %lt3A_777, %broadcast_in_dim3A_780, %broadcast_in_dim3A_781 : vector<16xi1>, vector<16xi32>
      %jit3A_783 = arith.constant 4 : i32
      %broadcast_in_dim3A_784 = vector.broadcast %jit3A_783 : i32 to vector<16xi32>
      %select_n3A_785 = arith.select %gt3A_774, %broadcast_in_dim3A_784, %select_n3A_782 : vector<16xi1>, vector<16xi32>
      %abs3A_786 = math.absf %get3A_771 : vector<16xf32>
      %min3A_787 = arith.constant 7.000000e+00 : f32
      %min3A_788 = vector.broadcast %min3A_787 : f32 to vector<16xf32>
      %min3A_789 = arith.minimumf %abs3A_786, %min3A_788 : vector<16xf32>
      %convert_element_type3A_790 = arith.fptosi %min3A_789 : vector<16xf32> to vector<16xi32>
      %or3A_791 = arith.ori %select_n3A_785, %convert_element_type3A_790 : vector<16xi32>
      %mul3A_792 = arith.muli %or3A_791, %add3A_14 : vector<16xi32>
      %xor3A_793 = arith.xori %xor3A_768, %mul3A_792 : vector<16xi32>
      %get3A_794 = arith.index_cast %add3A_716 : i32 to index
      %get3A_795 = arith.constant 48 : index
      %get3A_796 = tpu.vector_load %arg6[%get3A_794, %get3A_795] {strides = array<i32>} : memref<256x128xf32, #tpu.memory_space<vmem>>, vector<16xf32>,
      %gt3A_797 = arith.constant 0.000000e+00 : f32
      %gt3A_798 = vector.broadcast %gt3A_797 : f32 to vector<16xf32>
      %gt3A_799 = arith.cmpf ogt, %get3A_796, %gt3A_798 : vector<16xf32>
      %lt3A_800 = arith.constant 0.000000e+00 : f32
      %lt3A_801 = vector.broadcast %lt3A_800 : f32 to vector<16xf32>
      %lt3A_802 = arith.cmpf olt, %get3A_796, %lt3A_801 : vector<16xf32>
      %jit3A_803 = arith.constant 12 : i32
      %jit3A_804 = arith.constant 0 : i32
      %broadcast_in_dim3A_805 = vector.broadcast %jit3A_803 : i32 to vector<16xi32>
      %broadcast_in_dim3A_806 = vector.broadcast %jit3A_804 : i32 to vector<16xi32>
      %select_n3A_807 = arith.select %lt3A_802, %broadcast_in_dim3A_805, %broadcast_in_dim3A_806 : vector<16xi1>, vector<16xi32>
      %jit3A_808 = arith.constant 4 : i32
      %broadcast_in_dim3A_809 = vector.broadcast %jit3A_808 : i32 to vector<16xi32>
      %select_n3A_810 = arith.select %gt3A_799, %broadcast_in_dim3A_809, %select_n3A_807 : vector<16xi1>, vector<16xi32>
      %abs3A_811 = math.absf %get3A_796 : vector<16xf32>
      %min3A_812 = arith.constant 7.000000e+00 : f32
      %min3A_813 = vector.broadcast %min3A_812 : f32 to vector<16xf32>
      %min3A_814 = arith.minimumf %abs3A_811, %min3A_813 : vector<16xf32>
      %convert_element_type3A_815 = arith.fptosi %min3A_814 : vector<16xf32> to vector<16xi32>
      %or3A_816 = arith.ori %select_n3A_810, %convert_element_type3A_815 : vector<16xi32>
      %mul3A_817 = arith.muli %or3A_816, %add3A_17 : vector<16xi32>
      %xor3A_818 = arith.xori %xor3A_793, %mul3A_817 : vector<16xi32>
      %mul3A_819 = arith.constant 16 : i32
      %mul3A_820 = arith.muli %add3A_716, %mul3A_819 : i32
      %swap3A_821 = arith.index_cast %mul3A_820 : i32 to index
      %swap3A_822 = tpu.vector_load %arg10[%swap3A_821] {strides = array<i32>} : memref<4096xi32, #tpu.memory_space<vmem>>, vector<16xi32>,
      tpu.vector_store %arg10[%swap3A_821], %broadcast_in_dim3A_18 {strides = array<i32>} : memref<4096xi32, #tpu.memory_space<vmem>>, vector<16xi32>,
      %add3A_823 = vector.broadcast %add3A_716 : i32 to vector<16xi32>
      %add3A_824 = arith.addi %mul3A_5, %add3A_823 : vector<16xi32>
      tpu.vector_store_idx %arg7[%add3A_824], %xor3A_818 : memref<4112xi32, #tpu.memory_space<vmem>>[vector<16xi32>], vector<16xi32>,
      %mul3A_825 = arith.constant 8 : i32
      %mul3A_826 = arith.muli %while3A_51, %mul3A_825 : i32
      %add3A_827 = arith.constant 7 : i32
      %add3A_828 = arith.addi %mul3A_826, %add3A_827 : i32
      %broadcast_in_dim3A_829 = arith.constant 0 : i32
      %broadcast_in_dim3A_830 = vector.broadcast %broadcast_in_dim3A_829 : i32 to vector<16xi32>
      %get3A_831 = arith.index_cast %add3A_828 : i32 to index
      %get3A_832 = arith.constant 0 : index
      %get3A_833 = tpu.vector_load %arg6[%get3A_831, %get3A_832] {strides = array<i32>} : memref<256x128xf32, #tpu.memory_space<vmem>>, vector<16xf32>,
      %gt3A_834 = arith.constant 0.000000e+00 : f32
      %gt3A_835 = vector.broadcast %gt3A_834 : f32 to vector<16xf32>
      %gt3A_836 = arith.cmpf ogt, %get3A_833, %gt3A_835 : vector<16xf32>
      %lt3A_837 = arith.constant 0.000000e+00 : f32
      %lt3A_838 = vector.broadcast %lt3A_837 : f32 to vector<16xf32>
      %lt3A_839 = arith.cmpf olt, %get3A_833, %lt3A_838 : vector<16xf32>
      %jit3A_840 = arith.constant 12 : i32
      %jit3A_841 = arith.constant 0 : i32
      %broadcast_in_dim3A_842 = vector.broadcast %jit3A_840 : i32 to vector<16xi32>
      %broadcast_in_dim3A_843 = vector.broadcast %jit3A_841 : i32 to vector<16xi32>
      %select_n3A_844 = arith.select %lt3A_839, %broadcast_in_dim3A_842, %broadcast_in_dim3A_843 : vector<16xi1>, vector<16xi32>
      %jit3A_845 = arith.constant 4 : i32
      %broadcast_in_dim3A_846 = vector.broadcast %jit3A_845 : i32 to vector<16xi32>
      %select_n3A_847 = arith.select %gt3A_836, %broadcast_in_dim3A_846, %select_n3A_844 : vector<16xi1>, vector<16xi32>
      %abs3A_848 = math.absf %get3A_833 : vector<16xf32>
      %min3A_849 = arith.constant 7.000000e+00 : f32
      %min3A_850 = vector.broadcast %min3A_849 : f32 to vector<16xf32>
      %min3A_851 = arith.minimumf %abs3A_848, %min3A_850 : vector<16xf32>
      %convert_element_type3A_852 = arith.fptosi %min3A_851 : vector<16xf32> to vector<16xi32>
      %or3A_853 = arith.ori %select_n3A_847, %convert_element_type3A_852 : vector<16xi32>
      %mul3A_854 = arith.muli %or3A_853, %add3A_8 : vector<16xi32>
      %xor3A_855 = arith.xori %broadcast_in_dim3A_830, %mul3A_854 : vector<16xi32>
      %get3A_856 = arith.index_cast %add3A_828 : i32 to index
      %get3A_857 = arith.constant 16 : index
      %get3A_858 = tpu.vector_load %arg6[%get3A_856, %get3A_857] {strides = array<i32>} : memref<256x128xf32, #tpu.memory_space<vmem>>, vector<16xf32>,
      %gt3A_859 = arith.constant 0.000000e+00 : f32
      %gt3A_860 = vector.broadcast %gt3A_859 : f32 to vector<16xf32>
      %gt3A_861 = arith.cmpf ogt, %get3A_858, %gt3A_860 : vector<16xf32>
      %lt3A_862 = arith.constant 0.000000e+00 : f32
      %lt3A_863 = vector.broadcast %lt3A_862 : f32 to vector<16xf32>
      %lt3A_864 = arith.cmpf olt, %get3A_858, %lt3A_863 : vector<16xf32>
      %jit3A_865 = arith.constant 12 : i32
      %jit3A_866 = arith.constant 0 : i32
      %broadcast_in_dim3A_867 = vector.broadcast %jit3A_865 : i32 to vector<16xi32>
      %broadcast_in_dim3A_868 = vector.broadcast %jit3A_866 : i32 to vector<16xi32>
      %select_n3A_869 = arith.select %lt3A_864, %broadcast_in_dim3A_867, %broadcast_in_dim3A_868 : vector<16xi1>, vector<16xi32>
      %jit3A_870 = arith.constant 4 : i32
      %broadcast_in_dim3A_871 = vector.broadcast %jit3A_870 : i32 to vector<16xi32>
      %select_n3A_872 = arith.select %gt3A_861, %broadcast_in_dim3A_871, %select_n3A_869 : vector<16xi1>, vector<16xi32>
      %abs3A_873 = math.absf %get3A_858 : vector<16xf32>
      %min3A_874 = arith.constant 7.000000e+00 : f32
      %min3A_875 = vector.broadcast %min3A_874 : f32 to vector<16xf32>
      %min3A_876 = arith.minimumf %abs3A_873, %min3A_875 : vector<16xf32>
      %convert_element_type3A_877 = arith.fptosi %min3A_876 : vector<16xf32> to vector<16xi32>
      %or3A_878 = arith.ori %select_n3A_872, %convert_element_type3A_877 : vector<16xi32>
      %mul3A_879 = arith.muli %or3A_878, %add3A_11 : vector<16xi32>
      %xor3A_880 = arith.xori %xor3A_855, %mul3A_879 : vector<16xi32>
      %get3A_881 = arith.index_cast %add3A_828 : i32 to index
      %get3A_882 = arith.constant 32 : index
      %get3A_883 = tpu.vector_load %arg6[%get3A_881, %get3A_882] {strides = array<i32>} : memref<256x128xf32, #tpu.memory_space<vmem>>, vector<16xf32>,
      %gt3A_884 = arith.constant 0.000000e+00 : f32
      %gt3A_885 = vector.broadcast %gt3A_884 : f32 to vector<16xf32>
      %gt3A_886 = arith.cmpf ogt, %get3A_883, %gt3A_885 : vector<16xf32>
      %lt3A_887 = arith.constant 0.000000e+00 : f32
      %lt3A_888 = vector.broadcast %lt3A_887 : f32 to vector<16xf32>
      %lt3A_889 = arith.cmpf olt, %get3A_883, %lt3A_888 : vector<16xf32>
      %jit3A_890 = arith.constant 12 : i32
      %jit3A_891 = arith.constant 0 : i32
      %broadcast_in_dim3A_892 = vector.broadcast %jit3A_890 : i32 to vector<16xi32>
      %broadcast_in_dim3A_893 = vector.broadcast %jit3A_891 : i32 to vector<16xi32>
      %select_n3A_894 = arith.select %lt3A_889, %broadcast_in_dim3A_892, %broadcast_in_dim3A_893 : vector<16xi1>, vector<16xi32>
      %jit3A_895 = arith.constant 4 : i32
      %broadcast_in_dim3A_896 = vector.broadcast %jit3A_895 : i32 to vector<16xi32>
      %select_n3A_897 = arith.select %gt3A_886, %broadcast_in_dim3A_896, %select_n3A_894 : vector<16xi1>, vector<16xi32>
      %abs3A_898 = math.absf %get3A_883 : vector<16xf32>
      %min3A_899 = arith.constant 7.000000e+00 : f32
      %min3A_900 = vector.broadcast %min3A_899 : f32 to vector<16xf32>
      %min3A_901 = arith.minimumf %abs3A_898, %min3A_900 : vector<16xf32>
      %convert_element_type3A_902 = arith.fptosi %min3A_901 : vector<16xf32> to vector<16xi32>
      %or3A_903 = arith.ori %select_n3A_897, %convert_element_type3A_902 : vector<16xi32>
      %mul3A_904 = arith.muli %or3A_903, %add3A_14 : vector<16xi32>
      %xor3A_905 = arith.xori %xor3A_880, %mul3A_904 : vector<16xi32>
      %get3A_906 = arith.index_cast %add3A_828 : i32 to index
      %get3A_907 = arith.constant 48 : index
      %get3A_908 = tpu.vector_load %arg6[%get3A_906, %get3A_907] {strides = array<i32>} : memref<256x128xf32, #tpu.memory_space<vmem>>, vector<16xf32>,
      %gt3A_909 = arith.constant 0.000000e+00 : f32
      %gt3A_910 = vector.broadcast %gt3A_909 : f32 to vector<16xf32>
      %gt3A_911 = arith.cmpf ogt, %get3A_908, %gt3A_910 : vector<16xf32>
      %lt3A_912 = arith.constant 0.000000e+00 : f32
      %lt3A_913 = vector.broadcast %lt3A_912 : f32 to vector<16xf32>
      %lt3A_914 = arith.cmpf olt, %get3A_908, %lt3A_913 : vector<16xf32>
      %jit3A_915 = arith.constant 12 : i32
      %jit3A_916 = arith.constant 0 : i32
      %broadcast_in_dim3A_917 = vector.broadcast %jit3A_915 : i32 to vector<16xi32>
      %broadcast_in_dim3A_918 = vector.broadcast %jit3A_916 : i32 to vector<16xi32>
      %select_n3A_919 = arith.select %lt3A_914, %broadcast_in_dim3A_917, %broadcast_in_dim3A_918 : vector<16xi1>, vector<16xi32>
      %jit3A_920 = arith.constant 4 : i32
      %broadcast_in_dim3A_921 = vector.broadcast %jit3A_920 : i32 to vector<16xi32>
      %select_n3A_922 = arith.select %gt3A_911, %broadcast_in_dim3A_921, %select_n3A_919 : vector<16xi1>, vector<16xi32>
      %abs3A_923 = math.absf %get3A_908 : vector<16xf32>
      %min3A_924 = arith.constant 7.000000e+00 : f32
      %min3A_925 = vector.broadcast %min3A_924 : f32 to vector<16xf32>
      %min3A_926 = arith.minimumf %abs3A_923, %min3A_925 : vector<16xf32>
      %convert_element_type3A_927 = arith.fptosi %min3A_926 : vector<16xf32> to vector<16xi32>
      %or3A_928 = arith.ori %select_n3A_922, %convert_element_type3A_927 : vector<16xi32>
      %mul3A_929 = arith.muli %or3A_928, %add3A_17 : vector<16xi32>
      %xor3A_930 = arith.xori %xor3A_905, %mul3A_929 : vector<16xi32>
      %mul3A_931 = arith.constant 16 : i32
      %mul3A_932 = arith.muli %add3A_828, %mul3A_931 : i32
      %swap3A_933 = arith.index_cast %mul3A_932 : i32 to index
      %swap3A_934 = tpu.vector_load %arg10[%swap3A_933] {strides = array<i32>} : memref<4096xi32, #tpu.memory_space<vmem>>, vector<16xi32>,
      tpu.vector_store %arg10[%swap3A_933], %broadcast_in_dim3A_18 {strides = array<i32>} : memref<4096xi32, #tpu.memory_space<vmem>>, vector<16xi32>,
      %add3A_935 = vector.broadcast %add3A_828 : i32 to vector<16xi32>
      %add3A_936 = arith.addi %mul3A_5, %add3A_935 : vector<16xi32>
      tpu.vector_store_idx %arg7[%add3A_936], %xor3A_930 : memref<4112xi32, #tpu.memory_space<vmem>>[vector<16xi32>], vector<16xi32>,
    }
    %broadcast_in_dim3A_29 = arith.constant 1056980736 : i32
    %broadcast_in_dim3A_30 = vector.broadcast %broadcast_in_dim3A_29 : i32 to vector<16xi32>
    %broadcast_in_dim3A_31 = arith.constant 12336 : i32
    %broadcast_in_dim3A_32 = vector.broadcast %broadcast_in_dim3A_31 : i32 to vector<16xi32>
    %broadcast_in_dim3A_33 = arith.constant 808452096 : i32
    %broadcast_in_dim3A_34 = vector.broadcast %broadcast_in_dim3A_33 : i32 to vector<16xi32>
    %mul3A_35 = arith.constant 16 : i32
    %mul3A_36 = vector.broadcast %mul3A_35 : i32 to vector<16xi32>
    %mul3A_37 = arith.muli %iota3A, %mul3A_36 : vector<16xi32>
    %while3A_38 = arith.constant 0 : i32
    %while3A_39 = arith.constant 0 : i32
    %while3A_40 = arith.constant 16 : i32
    %while3A_41 = arith.subi %while3A_40, %while3A_39 : i32
    %while3A_42 = arith.addi %while3A_39, %while3A_41 : i32
    %while3A_43 = arith.constant 1 : i32
    %while3A_44 = arith.divsi %while3A_41, %while3A_43 : i32
    %while3A_45 = arith.muli %while3A_44, %while3A_43 : i32
    %while3A_46 = arith.addi %while3A_39, %while3A_45 : i32
    %while3A_47 = arith.constant 1 : i32
    scf.for %while3A_51 = %while3A_39 to %while3A_46 step %while3A_47  : i32 {
      %mul3A_52 = arith.constant 16 : i32
      %mul3A_53 = arith.muli %while3A_51, %mul3A_52 : i32
      %get3A = arith.index_cast %mul3A_53 : i32 to index
      %get3A_54 = tpu.vector_load %arg7[%get3A] {strides = array<i32>} : memref<4112xi32, #tpu.memory_space<vmem>>, vector<16xi32>,
      %add3A_55 = arith.constant 257 : i32
      %add3A_56 = arith.addi %mul3A_53, %add3A_55 : i32
      %get3A_57 = arith.index_cast %add3A_56 : i32 to index
      %get3A_58 = tpu.vector_load %arg7[%get3A_57] {strides = array<i32>} : memref<4112xi32, #tpu.memory_space<vmem>>, vector<16xi32>,
      %xor3A = arith.xori %get3A_54, %get3A_58 : vector<16xi32>
      %add3A_59 = arith.constant 514 : i32
      %add3A_60 = arith.addi %mul3A_53, %add3A_59 : i32
      %get3A_61 = arith.index_cast %add3A_60 : i32 to index
      %get3A_62 = tpu.vector_load %arg7[%get3A_61] {strides = array<i32>} : memref<4112xi32, #tpu.memory_space<vmem>>, vector<16xi32>,
      %xor3A_63 = arith.xori %xor3A, %get3A_62 : vector<16xi32>
      %add3A_64 = arith.constant 771 : i32
      %add3A_65 = arith.addi %mul3A_53, %add3A_64 : i32
      %get3A_66 = arith.index_cast %add3A_65 : i32 to index
      %get3A_67 = tpu.vector_load %arg7[%get3A_66] {strides = array<i32>} : memref<4112xi32, #tpu.memory_space<vmem>>, vector<16xi32>,
      %xor3A_68 = arith.xori %xor3A_63, %get3A_67 : vector<16xi32>
      %add3A_69 = arith.constant 1028 : i32
      %add3A_70 = arith.addi %mul3A_53, %add3A_69 : i32
      %get3A_71 = arith.index_cast %add3A_70 : i32 to index
      %get3A_72 = tpu.vector_load %arg7[%get3A_71] {strides = array<i32>} : memref<4112xi32, #tpu.memory_space<vmem>>, vector<16xi32>,
      %xor3A_73 = arith.xori %xor3A_68, %get3A_72 : vector<16xi32>
      %add3A_74 = arith.constant 1285 : i32
      %add3A_75 = arith.addi %mul3A_53, %add3A_74 : i32
      %get3A_76 = arith.index_cast %add3A_75 : i32 to index
      %get3A_77 = tpu.vector_load %arg7[%get3A_76] {strides = array<i32>} : memref<4112xi32, #tpu.memory_space<vmem>>, vector<16xi32>,
      %xor3A_78 = arith.xori %xor3A_73, %get3A_77 : vector<16xi32>
      %add3A_79 = arith.constant 1542 : i32
      %add3A_80 = arith.addi %mul3A_53, %add3A_79 : i32
      %get3A_81 = arith.index_cast %add3A_80 : i32 to index
      %get3A_82 = tpu.vector_load %arg7[%get3A_81] {strides = array<i32>} : memref<4112xi32, #tpu.memory_space<vmem>>, vector<16xi32>,
      %xor3A_83 = arith.xori %xor3A_78, %get3A_82 : vector<16xi32>
      %add3A_84 = arith.constant 1799 : i32
      %add3A_85 = arith.addi %mul3A_53, %add3A_84 : i32
      %get3A_86 = arith.index_cast %add3A_85 : i32 to index
      %get3A_87 = tpu.vector_load %arg7[%get3A_86] {strides = array<i32>} : memref<4112xi32, #tpu.memory_space<vmem>>, vector<16xi32>,
      %xor3A_88 = arith.xori %xor3A_83, %get3A_87 : vector<16xi32>
      %add3A_89 = arith.constant 2056 : i32
      %add3A_90 = arith.addi %mul3A_53, %add3A_89 : i32
      %get3A_91 = arith.index_cast %add3A_90 : i32 to index
      %get3A_92 = tpu.vector_load %arg7[%get3A_91] {strides = array<i32>} : memref<4112xi32, #tpu.memory_space<vmem>>, vector<16xi32>,
      %xor3A_93 = arith.xori %xor3A_88, %get3A_92 : vector<16xi32>
      %add3A_94 = arith.constant 2313 : i32
      %add3A_95 = arith.addi %mul3A_53, %add3A_94 : i32
      %get3A_96 = arith.index_cast %add3A_95 : i32 to index
      %get3A_97 = tpu.vector_load %arg7[%get3A_96] {strides = array<i32>} : memref<4112xi32, #tpu.memory_space<vmem>>, vector<16xi32>,
      %xor3A_98 = arith.xori %xor3A_93, %get3A_97 : vector<16xi32>
      %add3A_99 = arith.constant 2570 : i32
      %add3A_100 = arith.addi %mul3A_53, %add3A_99 : i32
      %get3A_101 = arith.index_cast %add3A_100 : i32 to index
      %get3A_102 = tpu.vector_load %arg7[%get3A_101] {strides = array<i32>} : memref<4112xi32, #tpu.memory_space<vmem>>, vector<16xi32>,
      %xor3A_103 = arith.xori %xor3A_98, %get3A_102 : vector<16xi32>
      %add3A_104 = arith.constant 2827 : i32
      %add3A_105 = arith.addi %mul3A_53, %add3A_104 : i32
      %get3A_106 = arith.index_cast %add3A_105 : i32 to index
      %get3A_107 = tpu.vector_load %arg7[%get3A_106] {strides = array<i32>} : memref<4112xi32, #tpu.memory_space<vmem>>, vector<16xi32>,
      %xor3A_108 = arith.xori %xor3A_103, %get3A_107 : vector<16xi32>
      %add3A_109 = arith.constant 3084 : i32
      %add3A_110 = arith.addi %mul3A_53, %add3A_109 : i32
      %get3A_111 = arith.index_cast %add3A_110 : i32 to index
      %get3A_112 = tpu.vector_load %arg7[%get3A_111] {strides = array<i32>} : memref<4112xi32, #tpu.memory_space<vmem>>, vector<16xi32>,
      %xor3A_113 = arith.xori %xor3A_108, %get3A_112 : vector<16xi32>
      %add3A_114 = arith.constant 3341 : i32
      %add3A_115 = arith.addi %mul3A_53, %add3A_114 : i32
      %get3A_116 = arith.index_cast %add3A_115 : i32 to index
      %get3A_117 = tpu.vector_load %arg7[%get3A_116] {strides = array<i32>} : memref<4112xi32, #tpu.memory_space<vmem>>, vector<16xi32>,
      %xor3A_118 = arith.xori %xor3A_113, %get3A_117 : vector<16xi32>
      %add3A_119 = arith.constant 3598 : i32
      %add3A_120 = arith.addi %mul3A_53, %add3A_119 : i32
      %get3A_121 = arith.index_cast %add3A_120 : i32 to index
      %get3A_122 = tpu.vector_load %arg7[%get3A_121] {strides = array<i32>} : memref<4112xi32, #tpu.memory_space<vmem>>, vector<16xi32>,
      %xor3A_123 = arith.xori %xor3A_118, %get3A_122 : vector<16xi32>
      %add3A_124 = arith.constant 3855 : i32
      %add3A_125 = arith.addi %mul3A_53, %add3A_124 : i32
      %get3A_126 = arith.index_cast %add3A_125 : i32 to index
      %get3A_127 = tpu.vector_load %arg7[%get3A_126] {strides = array<i32>} : memref<4112xi32, #tpu.memory_space<vmem>>, vector<16xi32>,
      %xor3A_128 = arith.xori %xor3A_123, %get3A_127 : vector<16xi32>
      %and3A = arith.constant 63 : i32
      %and3A_129 = vector.broadcast %and3A : i32 to vector<16xi32>
      %and3A_130 = arith.andi %xor3A_128, %and3A_129 : vector<16xi32>
      %xor3A_131 = arith.constant 1 : i32
      %xor3A_132 = vector.broadcast %xor3A_131 : i32 to vector<16xi32>
      %xor3A_133 = arith.xori %and3A_130, %xor3A_132 : vector<16xi32>
      %shift_left3A = arith.constant 16 : i32
      %shift_left3A_134 = vector.broadcast %shift_left3A : i32 to vector<16xi32>
      %shift_left3A_135 = arith.shli %xor3A_133, %shift_left3A_134 : vector<16xi32>
      %or3A = arith.ori %and3A_130, %shift_left3A_135 : vector<16xi32>
      %swap3A = arith.index_cast %mul3A_53 : i32 to index
      %swap3A_136 = tpu.vector_load %arg8[%swap3A] {strides = array<i32>} : memref<256xi32, #tpu.memory_space<vmem>>, vector<16xi32>,
      tpu.vector_store %arg8[%swap3A], %or3A {strides = array<i32>} : memref<256xi32, #tpu.memory_space<vmem>>, vector<16xi32>,
      %swap3A_137 = arith.index_cast %mul3A_53 : i32 to index
      %swap3A_138 = tpu.vector_load %arg9[%swap3A_137] {strides = array<i32>} : memref<256xi32, #tpu.memory_space<vmem>>, vector<16xi32>,
      tpu.vector_store %arg9[%swap3A_137], %broadcast_in_dim3A_30 {strides = array<i32>} : memref<256xi32, #tpu.memory_space<vmem>>, vector<16xi32>,
      %and3A_139 = arith.constant 2 : i32
      %and3A_140 = vector.broadcast %and3A_139 : i32 to vector<16xi32>
      %and3A_141 = arith.andi %and3A_130, %and3A_140 : vector<16xi32>
      %eq3A = arith.constant 0 : i32
      %eq3A_142 = vector.broadcast %eq3A : i32 to vector<16xi32>
      %eq3A_143 = arith.cmpi eq, %and3A_141, %eq3A_142 : vector<16xi32>
      %select_n3A = arith.select %eq3A_143, %broadcast_in_dim3A_32, %broadcast_in_dim3A_34 : vector<16xi1>, vector<16xi32>
      %mul3A_144 = arith.constant 16 : i32
      %mul3A_145 = arith.muli %mul3A_53, %mul3A_144 : i32
      %add3A_146 = vector.broadcast %mul3A_145 : i32 to vector<16xi32>
      %add3A_147 = arith.addi %add3A_146, %mul3A_37 : vector<16xi32>
      %shift_right_arithmetic3A = arith.constant 2 : i32
      %shift_right_arithmetic3A_148 = vector.broadcast %shift_right_arithmetic3A : i32 to vector<16xi32>
      %shift_right_arithmetic3A_149 = arith.shrsi %and3A_130, %shift_right_arithmetic3A_148 : vector<16xi32>
      %add3A_150 = arith.addi %add3A_147, %shift_right_arithmetic3A_149 : vector<16xi32>
      tpu.vector_store_idx %arg10[%add3A_150], %select_n3A : memref<4096xi32, #tpu.memory_space<vmem>>[vector<16xi32>], vector<16xi32>,
    }
    %while3A_48 = arith.constant 1 : i32
    scf.for %while3A_51 = %while3A_46 to %while3A_42 step %while3A_48  : i32 {
      %mul3A_52 = arith.constant 16 : i32
      %mul3A_53 = arith.muli %while3A_51, %mul3A_52 : i32
      %get3A = arith.index_cast %mul3A_53 : i32 to index
      %get3A_54 = tpu.vector_load %arg7[%get3A] {strides = array<i32>} : memref<4112xi32, #tpu.memory_space<vmem>>, vector<16xi32>,
      %add3A_55 = arith.constant 257 : i32
      %add3A_56 = arith.addi %mul3A_53, %add3A_55 : i32
      %get3A_57 = arith.index_cast %add3A_56 : i32 to index
      %get3A_58 = tpu.vector_load %arg7[%get3A_57] {strides = array<i32>} : memref<4112xi32, #tpu.memory_space<vmem>>, vector<16xi32>,
      %xor3A = arith.xori %get3A_54, %get3A_58 : vector<16xi32>
      %add3A_59 = arith.constant 514 : i32
      %add3A_60 = arith.addi %mul3A_53, %add3A_59 : i32
      %get3A_61 = arith.index_cast %add3A_60 : i32 to index
      %get3A_62 = tpu.vector_load %arg7[%get3A_61] {strides = array<i32>} : memref<4112xi32, #tpu.memory_space<vmem>>, vector<16xi32>,
      %xor3A_63 = arith.xori %xor3A, %get3A_62 : vector<16xi32>
      %add3A_64 = arith.constant 771 : i32
      %add3A_65 = arith.addi %mul3A_53, %add3A_64 : i32
      %get3A_66 = arith.index_cast %add3A_65 : i32 to index
      %get3A_67 = tpu.vector_load %arg7[%get3A_66] {strides = array<i32>} : memref<4112xi32, #tpu.memory_space<vmem>>, vector<16xi32>,
      %xor3A_68 = arith.xori %xor3A_63, %get3A_67 : vector<16xi32>
      %add3A_69 = arith.constant 1028 : i32
      %add3A_70 = arith.addi %mul3A_53, %add3A_69 : i32
      %get3A_71 = arith.index_cast %add3A_70 : i32 to index
      %get3A_72 = tpu.vector_load %arg7[%get3A_71] {strides = array<i32>} : memref<4112xi32, #tpu.memory_space<vmem>>, vector<16xi32>,
      %xor3A_73 = arith.xori %xor3A_68, %get3A_72 : vector<16xi32>
      %add3A_74 = arith.constant 1285 : i32
      %add3A_75 = arith.addi %mul3A_53, %add3A_74 : i32
      %get3A_76 = arith.index_cast %add3A_75 : i32 to index
      %get3A_77 = tpu.vector_load %arg7[%get3A_76] {strides = array<i32>} : memref<4112xi32, #tpu.memory_space<vmem>>, vector<16xi32>,
      %xor3A_78 = arith.xori %xor3A_73, %get3A_77 : vector<16xi32>
      %add3A_79 = arith.constant 1542 : i32
      %add3A_80 = arith.addi %mul3A_53, %add3A_79 : i32
      %get3A_81 = arith.index_cast %add3A_80 : i32 to index
      %get3A_82 = tpu.vector_load %arg7[%get3A_81] {strides = array<i32>} : memref<4112xi32, #tpu.memory_space<vmem>>, vector<16xi32>,
      %xor3A_83 = arith.xori %xor3A_78, %get3A_82 : vector<16xi32>
      %add3A_84 = arith.constant 1799 : i32
      %add3A_85 = arith.addi %mul3A_53, %add3A_84 : i32
      %get3A_86 = arith.index_cast %add3A_85 : i32 to index
      %get3A_87 = tpu.vector_load %arg7[%get3A_86] {strides = array<i32>} : memref<4112xi32, #tpu.memory_space<vmem>>, vector<16xi32>,
      %xor3A_88 = arith.xori %xor3A_83, %get3A_87 : vector<16xi32>
      %add3A_89 = arith.constant 2056 : i32
      %add3A_90 = arith.addi %mul3A_53, %add3A_89 : i32
      %get3A_91 = arith.index_cast %add3A_90 : i32 to index
      %get3A_92 = tpu.vector_load %arg7[%get3A_91] {strides = array<i32>} : memref<4112xi32, #tpu.memory_space<vmem>>, vector<16xi32>,
      %xor3A_93 = arith.xori %xor3A_88, %get3A_92 : vector<16xi32>
      %add3A_94 = arith.constant 2313 : i32
      %add3A_95 = arith.addi %mul3A_53, %add3A_94 : i32
      %get3A_96 = arith.index_cast %add3A_95 : i32 to index
      %get3A_97 = tpu.vector_load %arg7[%get3A_96] {strides = array<i32>} : memref<4112xi32, #tpu.memory_space<vmem>>, vector<16xi32>,
      %xor3A_98 = arith.xori %xor3A_93, %get3A_97 : vector<16xi32>
      %add3A_99 = arith.constant 2570 : i32
      %add3A_100 = arith.addi %mul3A_53, %add3A_99 : i32
      %get3A_101 = arith.index_cast %add3A_100 : i32 to index
      %get3A_102 = tpu.vector_load %arg7[%get3A_101] {strides = array<i32>} : memref<4112xi32, #tpu.memory_space<vmem>>, vector<16xi32>,
      %xor3A_103 = arith.xori %xor3A_98, %get3A_102 : vector<16xi32>
      %add3A_104 = arith.constant 2827 : i32
      %add3A_105 = arith.addi %mul3A_53, %add3A_104 : i32
      %get3A_106 = arith.index_cast %add3A_105 : i32 to index
      %get3A_107 = tpu.vector_load %arg7[%get3A_106] {strides = array<i32>} : memref<4112xi32, #tpu.memory_space<vmem>>, vector<16xi32>,
      %xor3A_108 = arith.xori %xor3A_103, %get3A_107 : vector<16xi32>
      %add3A_109 = arith.constant 3084 : i32
      %add3A_110 = arith.addi %mul3A_53, %add3A_109 : i32
      %get3A_111 = arith.index_cast %add3A_110 : i32 to index
      %get3A_112 = tpu.vector_load %arg7[%get3A_111] {strides = array<i32>} : memref<4112xi32, #tpu.memory_space<vmem>>, vector<16xi32>,
      %xor3A_113 = arith.xori %xor3A_108, %get3A_112 : vector<16xi32>
      %add3A_114 = arith.constant 3341 : i32
      %add3A_115 = arith.addi %mul3A_53, %add3A_114 : i32
      %get3A_116 = arith.index_cast %add3A_115 : i32 to index
      %get3A_117 = tpu.vector_load %arg7[%get3A_116] {strides = array<i32>} : memref<4112xi32, #tpu.memory_space<vmem>>, vector<16xi32>,
      %xor3A_118 = arith.xori %xor3A_113, %get3A_117 : vector<16xi32>
      %add3A_119 = arith.constant 3598 : i32
      %add3A_120 = arith.addi %mul3A_53, %add3A_119 : i32
      %get3A_121 = arith.index_cast %add3A_120 : i32 to index
      %get3A_122 = tpu.vector_load %arg7[%get3A_121] {strides = array<i32>} : memref<4112xi32, #tpu.memory_space<vmem>>, vector<16xi32>,
      %xor3A_123 = arith.xori %xor3A_118, %get3A_122 : vector<16xi32>
      %add3A_124 = arith.constant 3855 : i32
      %add3A_125 = arith.addi %mul3A_53, %add3A_124 : i32
      %get3A_126 = arith.index_cast %add3A_125 : i32 to index
      %get3A_127 = tpu.vector_load %arg7[%get3A_126] {strides = array<i32>} : memref<4112xi32, #tpu.memory_space<vmem>>, vector<16xi32>,
      %xor3A_128 = arith.xori %xor3A_123, %get3A_127 : vector<16xi32>
      %and3A = arith.constant 63 : i32
      %and3A_129 = vector.broadcast %and3A : i32 to vector<16xi32>
      %and3A_130 = arith.andi %xor3A_128, %and3A_129 : vector<16xi32>
      %xor3A_131 = arith.constant 1 : i32
      %xor3A_132 = vector.broadcast %xor3A_131 : i32 to vector<16xi32>
      %xor3A_133 = arith.xori %and3A_130, %xor3A_132 : vector<16xi32>
      %shift_left3A = arith.constant 16 : i32
      %shift_left3A_134 = vector.broadcast %shift_left3A : i32 to vector<16xi32>
      %shift_left3A_135 = arith.shli %xor3A_133, %shift_left3A_134 : vector<16xi32>
      %or3A = arith.ori %and3A_130, %shift_left3A_135 : vector<16xi32>
      %swap3A = arith.index_cast %mul3A_53 : i32 to index
      %swap3A_136 = tpu.vector_load %arg8[%swap3A] {strides = array<i32>} : memref<256xi32, #tpu.memory_space<vmem>>, vector<16xi32>,
      tpu.vector_store %arg8[%swap3A], %or3A {strides = array<i32>} : memref<256xi32, #tpu.memory_space<vmem>>, vector<16xi32>,
      %swap3A_137 = arith.index_cast %mul3A_53 : i32 to index
      %swap3A_138 = tpu.vector_load %arg9[%swap3A_137] {strides = array<i32>} : memref<256xi32, #tpu.memory_space<vmem>>, vector<16xi32>,
      tpu.vector_store %arg9[%swap3A_137], %broadcast_in_dim3A_30 {strides = array<i32>} : memref<256xi32, #tpu.memory_space<vmem>>, vector<16xi32>,
      %and3A_139 = arith.constant 2 : i32
      %and3A_140 = vector.broadcast %and3A_139 : i32 to vector<16xi32>
      %and3A_141 = arith.andi %and3A_130, %and3A_140 : vector<16xi32>
      %eq3A = arith.constant 0 : i32
      %eq3A_142 = vector.broadcast %eq3A : i32 to vector<16xi32>
      %eq3A_143 = arith.cmpi eq, %and3A_141, %eq3A_142 : vector<16xi32>
      %select_n3A = arith.select %eq3A_143, %broadcast_in_dim3A_32, %broadcast_in_dim3A_34 : vector<16xi1>, vector<16xi32>
      %mul3A_144 = arith.constant 16 : i32
      %mul3A_145 = arith.muli %mul3A_53, %mul3A_144 : i32
      %add3A_146 = vector.broadcast %mul3A_145 : i32 to vector<16xi32>
      %add3A_147 = arith.addi %add3A_146, %mul3A_37 : vector<16xi32>
      %shift_right_arithmetic3A = arith.constant 2 : i32
      %shift_right_arithmetic3A_148 = vector.broadcast %shift_right_arithmetic3A : i32 to vector<16xi32>
      %shift_right_arithmetic3A_149 = arith.shrsi %and3A_130, %shift_right_arithmetic3A_148 : vector<16xi32>
      %add3A_150 = arith.addi %add3A_147, %shift_right_arithmetic3A_149 : vector<16xi32>
      tpu.vector_store_idx %arg10[%add3A_150], %select_n3A : memref<4096xi32, #tpu.memory_space<vmem>>[vector<16xi32>], vector<16xi32>,
    }
    "tpu.region"() ({
      %run_scoped3A = tpu.sem_alloc : memref<!tpu.dma_semaphore, #tpu.memory_space<semaphore_mem>>
      %dma_start3A = tpu.memref_slice %arg3[%mul3A_2] : memref<8192xi32, #tpu.memory_space<hbm>> -> memref<256xi32, #tpu.memory_space<hbm>>
      %dma_start3A_51 = tpu.memref_slice %arg3[%mul3A_2] : memref<8192xi32, #tpu.memory_space<hbm>> -> memref<256xi32, #tpu.memory_space<hbm>>
      tpu.enqueue_dma source(%arg8 : memref<256xi32, #tpu.memory_space<vmem>>) target(%dma_start3A_51 : memref<256xi32, #tpu.memory_space<hbm>>) target_semaphore(%run_scoped3A : memref<!tpu.dma_semaphore, #tpu.memory_space<semaphore_mem>>)
      %dma_wait3A = tpu.memref_slice %arg3[%mul3A_2] : memref<8192xi32, #tpu.memory_space<hbm>> -> memref<256xi32, #tpu.memory_space<hbm>>
      %dma_wait3A_52 = tpu.memref_slice %arg3[%mul3A_2] : memref<8192xi32, #tpu.memory_space<hbm>> -> memref<256xi32, #tpu.memory_space<hbm>>
      tpu.wait_dma2 semaphore(%run_scoped3A : memref<!tpu.dma_semaphore, #tpu.memory_space<semaphore_mem>>) src(%arg8 : memref<256xi32, #tpu.memory_space<vmem>>) dst(%dma_wait3A_52 : memref<256xi32, #tpu.memory_space<hbm>>)
      tpu.yield
    }) : () -> ()
    "tpu.region"() ({
      %run_scoped3A = tpu.sem_alloc : memref<!tpu.dma_semaphore, #tpu.memory_space<semaphore_mem>>
      %dma_start3A = tpu.memref_slice %arg4[%mul3A_2] : memref<8192xi32, #tpu.memory_space<hbm>> -> memref<256xi32, #tpu.memory_space<hbm>>
      %dma_start3A_51 = tpu.memref_slice %arg4[%mul3A_2] : memref<8192xi32, #tpu.memory_space<hbm>> -> memref<256xi32, #tpu.memory_space<hbm>>
      tpu.enqueue_dma source(%arg9 : memref<256xi32, #tpu.memory_space<vmem>>) target(%dma_start3A_51 : memref<256xi32, #tpu.memory_space<hbm>>) target_semaphore(%run_scoped3A : memref<!tpu.dma_semaphore, #tpu.memory_space<semaphore_mem>>)
      %dma_wait3A = tpu.memref_slice %arg4[%mul3A_2] : memref<8192xi32, #tpu.memory_space<hbm>> -> memref<256xi32, #tpu.memory_space<hbm>>
      %dma_wait3A_52 = tpu.memref_slice %arg4[%mul3A_2] : memref<8192xi32, #tpu.memory_space<hbm>> -> memref<256xi32, #tpu.memory_space<hbm>>
      tpu.wait_dma2 semaphore(%run_scoped3A : memref<!tpu.dma_semaphore, #tpu.memory_space<semaphore_mem>>) src(%arg9 : memref<256xi32, #tpu.memory_space<vmem>>) dst(%dma_wait3A_52 : memref<256xi32, #tpu.memory_space<hbm>>)
      tpu.yield
    }) : () -> ()
    %mul3A_49 = arith.constant 16 : i32
    %mul3A_50 = arith.muli %mul3A_2, %mul3A_49 : i32
    "tpu.region"() ({
      %run_scoped3A = tpu.sem_alloc : memref<!tpu.dma_semaphore, #tpu.memory_space<semaphore_mem>>
      %dma_start3A = tpu.memref_slice %arg5[%mul3A_50] : memref<131072xi32, #tpu.memory_space<hbm>> -> memref<4096xi32, #tpu.memory_space<hbm>>
      %dma_start3A_51 = tpu.memref_slice %arg5[%mul3A_50] : memref<131072xi32, #tpu.memory_space<hbm>> -> memref<4096xi32, #tpu.memory_space<hbm>>
      tpu.enqueue_dma source(%arg10 : memref<4096xi32, #tpu.memory_space<vmem>>) target(%dma_start3A_51 : memref<4096xi32, #tpu.memory_space<hbm>>) target_semaphore(%run_scoped3A : memref<!tpu.dma_semaphore, #tpu.memory_space<semaphore_mem>>)
      %dma_wait3A = tpu.memref_slice %arg5[%mul3A_50] : memref<131072xi32, #tpu.memory_space<hbm>> -> memref<4096xi32, #tpu.memory_space<hbm>>
      %dma_wait3A_52 = tpu.memref_slice %arg5[%mul3A_50] : memref<131072xi32, #tpu.memory_space<hbm>> -> memref<4096xi32, #tpu.memory_space<hbm>>
      tpu.wait_dma2 semaphore(%run_scoped3A : memref<!tpu.dma_semaphore, #tpu.memory_space<semaphore_mem>>) src(%arg10 : memref<4096xi32, #tpu.memory_space<vmem>>) dst(%dma_wait3A_52 : memref<4096xi32, #tpu.memory_space<hbm>>)
      tpu.yield
    }) : () -> ()
    return
  }
}

</mosaic_0001>

<sc_bundles>
// kernel: kernel.3.cloned.1.call-start
scs
__scs_entry_jumppad:
0x0: {  	(pc) =	sbr.rel $0x88, $3  }
0x1: {  	(tag) =	ssettag $0x0;
	lr =	simm.s32 $0x1  }
0x2: {  	[smem:$0x3FA0] =	sst lr;
	_ =	strace $0xD0000000  }
0x3: {  	_ = 	snop  }
0x4: {  	_ = 	snop  }
0x5: {  	_ = 	snop  }
0x6: {  	_ = 	snop  }
0x7: {  	_ = 	snop  }
__scs_overlays_trampoline_lowered:
0x8: {  	[smem:$0x3FAF] =	sst s0  }
0x9: {  	[smem:$0x3FB0] =	sst s1  }
0xa: {  	[smem:$0x3FB1] =	sst s2  }
0xb: {  	[smem:$0x3FB2] =	sst s3  }
0xc: {  	[smem:$0x3FB3] =	sst s4  }
0xd: {  	[smem:$0x3FB4] =	sst s5  }
0xe: {  	[smem:$0x3FB5] =	sst s6  }
0xf: {  	[smem:$0x3FB6] =	sst s7  }
0x10: {  	[smem:$0x3FB7] =	sst s8  }
0x11: {  	[smem:$0x3FB8] =	sst s9;
	s0 =	simm.s32 @!p0 $0x0  }
0x12: {  	s1 =	sld [smem:$0x3F9E];
	s0 =	simm.s32 @p0 $0x1  }
0x13: {  	[smem:$0x3FB9] =	sst s0;
	s0 =	simm.s32 @!p1 $0x0  }
0x14: {  	s2 =	sld [smem:$0x3F9D];
	s0 =	simm.s32 @p1 $0x1  }
0x15: {  	[smem:$0x3FBA] =	sst s0;
	s0 =	simm.s32 @!p2 $0x0  }
0x16: {  	s3 =	sld [smem:$0x3FDB];
	s0 =	simm.s32 @p2 $0x1  }
0x17: {  	s4 =	simm.s32 $0x1BF5;
	[smem:$0x3FBC] =	sst s0  }
0x18: {  	s0 =	sld [smem:$0x3F9F];
	_ =	swait.ge [sflag:s4], $0x0  }
0x19: {  	s7 =	sld [smem:$0x3FA0]  }
0x1a: {  	s8 =	sadd.s32 $0xFFFFE003, lr  }
0x1b: {  	s9 =	sadd.s32 $0xFFFFFEF7, lr;
	s5 =	simm.s32 $0xFFFFFFFF;
	p2 =	slt.u32 s8, $0xFFFFF086  }
0x1c: {  	p1 =	slt.u32 s9, $0xF7A;
	s5 =	simm.s32 @!p2 $0x0  }
0x1d: {  	s5 =	simm.s32 @p1 $0x1;
	p0 =	seq.s32 s7, s2  }
0x1e: {  	s7 =	smul.u32 @!p0 $0xF7A, s2;
	p2 =	seq.s32 @!p0 s5, $0x0  }
0x1f: {  	s9 =	smul.u32 $0xF7A, s1;
	s8 =	simm.s32 @!p0 $0x1BF5;
	p2 =	por !p2, p0  }
0x20: {  	[sflag:s8] =	ssyncset.s32 @!p0 $0xFFFFF086;
	s6 =	sadd.s32 @!p0 s3, s7;
	s7 =	simm.s32 @!p0 $0x108  }
0x21: {  	s3 =	sadd.s32 s3, s9;
	s6 =	sadd.s32 @!p0 $0x88, s6;
	s7 =	simm.s32 @p2 $0x1082  }
0x22: {  	[simem:s7], [sflag:s8] =	dma.local @!p0 [hbm:s6], $0xF7A  }
0x23: {  	s9 =	sor.u32 $0xD0000000, s2;
	s6 =	simm.s32 $0x108;
	_ =	swait.ge @!p0 [sflag:s8], $0x0  }
0x24: {  	s3 =	sadd.s32 $0x88, s3;
	s6 =	simm.s32 @!p1 $0x1082;
	[sflag:s4] =	ssyncset.s32 $0xFFFFF086  }
0x25: {  	[simem:s6], [sflag:s4] =	dma.local [hbm:s3], $0xF7A  }
0x26: {  	[smem:$0x3FA0] =	sst s1;
	(tag) =	ssettag s2;
	_ =	strace s9  }
0x27: {  	s1 =	sld [smem:$0x3FB0]  }
0x28: {  	s2 =	sld [smem:$0x3FB1]  }
0x29: {  	s4 =	sld [smem:$0x3FB3]  }
0x2a: {  	p0 =	seq.s32 s5, $0x0;
	s5 =	sld [smem:$0x3FB4]  }
0x2b: {  	s6 =	sld [smem:$0x3FB5]  }
0x2c: {  	s7 =	sld [smem:$0x3FB6]  }
0x2d: {  	s3 =	simm.s32 $0x108;
	s8 =	sld [smem:$0x3FB7]  }
0x2e: {  	s3 =	simm.s32 @!p0 $0x1082;
	s9 =	sld [smem:$0x3FB8]  }
0x2f: {  	lr =	sadd.s32 s0, s3;
	s0 =	sld [smem:$0x3FAF]  }
0x30: {  	s3 =	sld [smem:$0x3FB2]  }
0x31: {  	[smem:$0x3FBB] =	sst s10  }
0x32: {  	s10 =	sld [smem:$0x3FB9];
	_ =	sdelay $0x3  }
0x33: {  	p0 =	seq.s32 s10, $0x1;
	s10 =	sld [smem:$0x3FBB];
	_ =	sdelay $0x3  }
0x34: {  	[smem:$0x3FBB] =	sst s10  }
0x35: {  	s10 =	sld [smem:$0x3FBA];
	_ =	sdelay $0x3  }
0x36: {  	p1 =	seq.s32 s10, $0x1;
	s10 =	sld [smem:$0x3FBB];
	_ =	sdelay $0x3  }
0x37: {  	[smem:$0x3FBB] =	sst s10  }
0x38: {  	s10 =	sld [smem:$0x3FBC]  }
0x39: {  	_ = 	snop;
	(pc) =	sbr.ind lr, $3  }
0x3a: {  	_ = 	snop  }
0x3b: {  	_ = 	snop  }
0x3c: {  	p2 =	seq.s32 s10, $0x1;
	s10 =	sld [smem:$0x3FBB]  }
0x3d: {  	_ =	shalt  }
0x3e: {  	_ =	shalt  }
0x3f: {  	_ =	shalt  }
0x40: {  	_ =	shalt  }
0x41: {  	_ =	shalt  }
0x42: {  	_ =	shalt  }
0x43: {  	_ =	shalt  }
0x44: {  	_ =	shalt  }
0x45: {  	_ =	shalt  }
0x46: {  	_ =	shalt  }
0x47: {  	_ =	shalt  }
0x48: {  	_ =	shalt  }
0x49: {  	_ =	shalt  }
0x4a: {  	_ =	shalt  }
0x4b: {  	_ =	shalt  }
0x4c: {  	_ =	shalt  }
0x4d: {  	_ =	shalt  }
0x4e: {  	_ =	shalt  }
0x4f: {  	_ =	shalt  }
0x50: {  	_ =	shalt  }
0x51: {  	_ =	shalt  }
0x52: {  	_ =	shalt  }
0x53: {  	_ =	shalt  }
0x54: {  	_ =	shalt  }
0x55: {  	_ =	shalt  }
0x56: {  	_ =	shalt  }
0x57: {  	_ =	shalt  }
0x58: {  	_ =	shalt  }
0x59: {  	_ =	shalt  }
0x5a: {  	_ =	shalt  }
0x5b: {  	_ =	shalt  }
0x5c: {  	_ =	shalt  }
0x5d: {  	_ =	shalt  }
0x5e: {  	_ =	shalt  }
0x5f: {  	_ =	shalt  }
0x60: {  	_ =	shalt  }
0x61: {  	_ =	shalt  }
0x62: {  	_ =	shalt  }
0x63: {  	_ =	shalt  }
0x64: {  	_ =	shalt  }
0x65: {  	_ =	shalt  }
0x66: {  	_ =	shalt  }
0x67: {  	_ =	shalt  }
0x68: {  	_ =	shalt  }
0x69: {  	_ =	shalt  }
0x6a: {  	_ =	shalt  }
0x6b: {  	_ =	shalt  }
0x6c: {  	_ =	shalt  }
0x6d: {  	_ =	shalt  }
0x6e: {  	_ =	shalt  }
0x6f: {  	_ =	shalt  }
0x70: {  	_ =	shalt  }
0x71: {  	_ =	shalt  }
0x72: {  	_ =	shalt  }
0x73: {  	_ =	shalt  }
0x74: {  	_ =	shalt  }
0x75: {  	_ =	shalt  }
0x76: {  	_ =	shalt  }
0x77: {  	_ =	shalt  }
0x78: {  	_ =	shalt  }
0x79: {  	_ =	shalt  }
0x7a: {  	_ =	shalt  }
0x7b: {  	_ =	shalt  }
0x7c: {  	_ =	shalt  }
0x7d: {  	_ =	shalt  }
0x7e: {  	_ =	shalt  }
0x7f: {  	_ =	shalt  }
0x80: {  	_ =	shalt  }
0x81: {  	_ =	shalt  }
0x82: {  	_ =	shalt  }
0x83: {  	_ =	shalt  }
0x84: {  	_ =	shalt  }
0x85: {  	_ =	shalt  }
0x86: {  	_ =	shalt  }
0x87: {  	_ =	shalt  }
.Lfunc_end0:
.L_simem_size_0:
called_computation_lowered:
.L_overlay_start_0:
0x88: {  	s2 =	sld [smem:$0x3FD9]  }
0x89: {  	s3 =	sld [smem:$0x3FFE];
	_ =	sdelay $0x1  }
0x8a: {  	s1 =	srdreg.scid  }
0x8b: {  	s0 =	sand.u32 $0x1, s1  }
0x8c: {  	s15 =	sshll.u32 s0, $0xA;
	s2 =	sadd.s32 s3, s2  }
0x8d: {  	s2 =	sadd.s32 s2, s15  }
0x8e: {  	[smem:$0x3FC7] =	sst s2  }
0x8f: {  	_ = 	snop  }
0x90: {  	s2 =	sld [smem:$0x3FD0];
	_ =	sdelay $0x2  }
0x91: {  	s4 =	simm.s32 $0xA;
	s5 =	simm.s32 $0x10;
	s16 =	sld [smem:$0x3FC9]  }
0x92: {  	[smem:s5], [sflag:s4] =	dma.local [hbm:s2], $0x1  }
0x93: {  	_ =	swait.eq [sflag:s4], $0x1  }
0x94: {  	s17 =	sld [smem:$0x10];
	[sflag:s4] =	ssyncset.done $0x0  }
0x95: {  	s18 =	sld [smem:$0x11];
	[sflag:s4] =	ssyncadd.s32 $0xFFFFFFFF  }
0x96: {  	s19 =	sld [smem:$0x12];
	(tm) =	ssettm $0x1  }
0x97: {  	s6 =	sld [smem:$0x3FFB];
	_ =	sdelay $0x3  }
0x98: {  	_ =	strace s6  }
0x99: {  	s6 =	sld [smem:$0x3FFC];
	_ =	sdelay $0x3  }
0x9a: {  	_ =	strace s6  }
0x9b: {  	s6 =	sld [smem:$0x3FFD];
	_ =	sdelay $0x3  }
0x9c: {  	_ =	strace s6  }
0x9d: {  	_ =	strace $0x8FFFFFFF  }
0x9e: {  	s20 =	sld [smem:$0x3FDB];
	_ =	sdelay $0x1  }
0x9f: {  	s7 =	simm.s32 $_scs_section_size  }
0xa0: {  	s8 =	simm.s32 $_size__tile_overlayer_lowered;
	s9 =	simm.s32 $_tile_overlayer_lowered  }
0xa1: {  	s23 =	simm.s32 $0x1BFF;
	s22 =	sshll.u32 s9, $0x1;
	s6 =	sadd.s32 s7, s20  }
0xa2: {  	s10 =	simm.s32 $0x0;
	s21 =	sshll.u32 s8, $0x1;
	s8 =	sadd.s32 s22, s6  }
0xa3: {  	[timem:s10], [sflag:s23] =	dma.local [hbm:s8], s21  }
0xa4: {  	_ =	swait.ge [sflag:s23], s21  }
0xa5: {  	s7 =	ssub.s32 $0x0, s21;
	[sflag:s23] =	ssyncset.done $0x0  }
0xa6: {  	[sflag:s23] =	ssyncadd.s32 s7;
	_ =	sdelay $0x1  }
0xa7: {  	s24 =	simm.s32 $0x1B8B  }
0xa8: {  	_ =	swait.ge [sflag:s24], $0x1  }
0xa9: {  	[sflag:s24] =	ssyncset.done $0x0  }
0xaa: {  	s25 =	simm.s32 $0x1B8E;
	[sflag:s24] =	ssyncadd.s32 $0xFFFFFFFF  }
0xab: {  	s26 =	simm.s32 $execute0_lowered;
	[smem:$0x3FD2] =	sst s25  }
0xac: {  	s7 =	sshll.u32 s26, $0x1;
	_ =	strace $0x80000046;
	[dreg:$0x1] =	wrdreg $0xFFFFFFFF  }
0xad: {  	s28 =	simm.s32 $_size_execute0_lowered;
	s6 =	sadd.s32 s6, s7;
	[dreg:$0x0] =	wrdreg $0x0  }
0xae: {  	s7 =	sshll.u32 s28, $0x1;
	[dreg:$0x2] =	wrdreg s6  }
0xaf: {  	[dreg:$0x3] =	wrdreg s7  }
0xb0: {  	[dreg:$0x4] =	wrdreg $0xC0  }
0xb1: {  	_ =	task [dreg:s10], $0x5FFFF  }
0xb2: {  	[dreg:$0x1] =	wrdreg $0xFFFFFFFF  }
0xb3: {  	[dreg:$0x0] =	wrdreg $0x60  }
0xb4: {  	[dreg:$0x2] =	wrdreg s16  }
0xb5: {  	[dreg:$0x3] =	wrdreg s18  }
0xb6: {  	[dreg:$0x4] =	wrdreg s17  }
0xb7: {  	[dreg:$0x5] =	wrdreg s19  }
0xb8: {  	[dreg:$0x6] =	wrdreg $0x9  }
0xb9: {  	_ =	task.clear_ibuf [dreg:s10], $0x7FFFF;
	_ =	strace $0x90000046  }
0xba: {  	s29 =	simm.s32 $0x9;
	_ =	strace $0x80000048  }
0xbb: {  	_ =	swait.ge [sflag:s29], $0x1  }
0xbc: {  	[sflag:s29] =	ssyncadd.s32 $0xFFFFFFFF  }
0xbd: {  	_ =	strace $0x90000048  }
0xbe: {  	_ =	sfence  }
0xbf: {  	s30 =	sld [smem:$0x0];
	_ =	sdelay $0x2  }
0xc0: {  	s31 =	sshll.u32 s1, $0xD;
	s1 =	sshrl.u32 s1, $0x2  }
0xc1: {  	s3 =	sand.u32 $0x4000, s31;
	s1 =	sadd.s32 s1, s30  }
0xc2: {  	s0 =	sor.u32 s3, s0;
	s1 =	sshll.u32 s1, $0x11  }
0xc3: {  	s0 =	sor.u32 s1, s0  }
0xc4: {  	s0 =	sadd.s32 $0x8F2B, s0  }
0xc5: {  	[sflag:s0] =	ssyncadd.remote.s32 $0x1  }
0xc6: {  	_ =	sfence.sel $0xFFFF  }
0xc7: {  	[dreg:$0x0] =	wrdreg $0xFFFFFFFF;
	(pc) =	sbr.abs _section_cstart, $3  }
0xc8: {  	[dreg:$0x1] =	wrdreg $0xFFFFFFFF  }
0xc9: {  	_ =	task.clear_ibuf [dreg:s10], $0x2FFFF;
	_ =	strace $0x9FFFFFFF  }
0xca: {  	(tm) =	ssettm $0x7FFFFFFF  }
0xcb: {  	_ =	shalt  }
tec
execute0_lowered:
.L_overlay_start_1:
0x0: {  	(tag) =	ssettag $0x1  }
0x1: {  	s3 =	rddreg [dreg:$0x0]  }
0x2: {  	s4 =	rddreg [dreg:$0x1]  }
0x3: {  	s5 =	rddreg [dreg:$0x2]  }
0x4: {  	s6 =	rddreg [dreg:$0x3];
	s2 =	srdreg.scid  }
0x5: {  	s0 =	rddreg [dreg:$0x4];
	s1 =	stileid.u32;
	s11 =	simm.s32 $0x8000  }
0x6: {  	s12 =	simm.s32 $0x9280;
	s13 =	simm.s32 $0x9080;
	s14 =	simm.s32 $0x9180  }
0x7: {  	s15 =	simm.s32 $0x0;
	s7 =	sand.u32 $0x1, s2;
	s2 =	simm.s32 $0x0  }
0x8: {  	s9 =	sshll.u32 s1, $0x1;
	s8 =	ssub.s32 $0x2, s7;
	[smem:$0x7FF] =	sst s2  }
0x9: {  	s7 =	sor.u32 s7, s9;
	s10 =	sshrl.u32 s8, $0x1;
	_ =	strace $0x80000047  }
0xa: {  	v8 =	vlaneseq.u32;
	s9 =	sshll.u32 s7, $0xF;
	s31 =	sshll.u32 s7, $0x5;
	s7 =	sshll.u32 s7, $0x9  }
0xb: {  	v0 =	vimm.s32 $0x0;
	v6 =	vimm.s32 $0x3F003F00;
	v7 =	vimm.s32 $0x30300000;
	s8 =	ssub.s32 s8, s10;
	s3 =	sadd.s32 s3, s9;
	s4 =	sadd.s32 s4, s31  }
0xc: {  	v1 =	vadd.s32 $0x1, v8;
	v2 =	vadd.s32 $0x11, v8;
	v3 =	vadd.s32 $0x21, v8;
	s5 =	sadd.s32 s5, s31;
	s6 =	sadd.s32 s6, s7;
	s9 =	simm.s32 $0x2000  }
0xd: {  	v4 =	vadd.s32 $0x31, v8;
	v5 =	vmul.u32 $0x101, v8;
	v8 =	vmul.u32 $0x10, v8;
	s10 =	simm.s32 $0x1;
	s7 =	smax.u32 s8, $0x1;
	s8 =	simm.s32 $0x400  }
.LBB2_1:
0xe: {  	[tilespmem:s2], [sflag:$0x1] =	stream.strided.gather [hbm4b:s3+s8], $0x8000, s9, s8, $0x38;
	[tilespmem:$0xA280] =	vst v63  }
0xf: {  	_ =	swait.ge [sflag:s10], $0x8000  }
0x10: {  	s16 =	simm.s32 $0x7;
	[sflag:s10] =	ssyncset.done $0x0  }
0x11: {  	s17 =	simm.s32 $0x92C0;
	s18 =	simm.s32 $0x200;
	[sflag:s10] =	ssyncadd.s32 $0xFFFF8000  }
.LBB2_2:
0x12: {  	v9 =	vld [tilespmem:s18+$0xFFFFFE00]  }
0x13: {  	v10 =	vld [tilespmem:s18+$0xFFFFFE10];
	_ =	sdelay $0x3  }
0x14: {  	v13 =	vld [tilespmem:s18+$0xFFFFFE20];
	vm0 =	vgt.f32 v9, $0.0e+00;
	v11 =	vand.u32 $0x7FFFFFFF, v9  }
0x15: {  	vm1 =	vlt.f32 v9, $0.0e+00;
	v9 =	vmin.f32 v11, $7.000000000e+00;
	v11 =	vand.u32 $0x7FFFFFFF, v10  }
0x16: {  	s19 =	sadd.s32 $0xFFFFFFF9, s16;
	v11 =	vmin.f32 v11, $7.000000000e+00  }
0x17: {  	v18 =	vadd.s32 s19, v5;
	v11 =	vtrunc.f32 v11  }
0x18: {  	vm14 =	vlt.f32 v10, $0.0e+00;
	vm15 =	vgt.f32 v10, $0.0e+00;
	v10 =	vcvt.f32.s32 v11;
	v11 =	vld [tilespmem:s18+$0xFFFFFE30]  }
0x19: {  	vm4 =	vgt.f32 v13, $0.0e+00;
	vm5 =	vlt.f32 v13, $0.0e+00;
	v9 =	vtrunc.f32 v9  }
0x1a: {  	v63 =	vand.u32 $0x7FFFFFFF, v13;
	v12 =	vsel vm1, $0xC, v0;
	v9 =	vcvt.f32.s32 v9  }
0x1b: {  	v14 =	vsel vm14, $0xC, v0;
	v16 =	vsel vm5, $0xC, v0;
	v12 =	vsel vm0, $0x4, v12  }
0x1c: {  	v14 =	vsel vm15, $0x4, v14;
	v13 =	vsel vm4, $0x4, v16;
	v9 =	vor.u32 v9, v12  }
0x1d: {  	v12 =	vmin.f32 v63, $7.000000000e+00;
	v10 =	vor.u32 v10, v14;
	v17 =	vand.u32 $0x7FFFFFFF, v11  }
0x1e: {  	v9 =	vmul.u32 v1, v9;
	v12 =	vtrunc.f32 v12;
	v14 =	vmin.f32 v17, $7.000000000e+00  }
0x1f: {  	v12 =	vcvt.f32.s32 v12;
	vm6 =	vlt.f32 v11, $0.0e+00;
	v14 =	vtrunc.f32 v14  }
0x20: {  	vm7 =	vgt.f32 v11, $0.0e+00;
	v11 =	vsel vm6, $0xC, v0;
	v14 =	vcvt.f32.s32 v14  }
0x21: {  	v10 =	vmul.u32 v2, v10;
	v12 =	vor.u32 v12, v13;
	v11 =	vsel vm7, $0x4, v11  }
0x22: {  	v12 =	vmul.u32 v3, v12;
	v11 =	vor.u32 v14, v11  }
0x23: {  	v9 =	vxor.u32 v9, v10;
	v10 =	vmul.u32 v4, v11  }
0x24: {  	v9 =	vxor.u32 v12, v9  }
0x25: {  	[tilespmem:s17+$0xFFFFFFC0] =	vst v0;
	v9 =	vxor.u32 v10, v9  }
0x26: {  	[tilespmem:v18+s11+$0x0] =	vst.idx.msk $0xffff, v9  }
0x27: {  	v9 =	vld [tilespmem:s18+$0xFFFFFE80]  }
0x28: {  	v10 =	vld [tilespmem:s18+$0xFFFFFE90];
	_ =	sdelay $0x3  }
0x29: {  	v13 =	vld [tilespmem:s18+$0xFFFFFEA0];
	vm8 =	vgt.f32 v9, $0.0e+00;
	v11 =	vand.u32 $0x7FFFFFFF, v9  }
0x2a: {  	vm9 =	vlt.f32 v9, $0.0e+00;
	v9 =	vmin.f32 v11, $7.000000000e+00;
	v11 =	vand.u32 $0x7FFFFFFF, v10  }
0x2b: {  	s25 =	sadd.s32 $0xFFFFFFFA, s16;
	v11 =	vmin.f32 v11, $7.000000000e+00  }
0x2c: {  	v24 =	vadd.s32 s25, v5;
	v11 =	vtrunc.f32 v11  }
0x2d: {  	vm10 =	vlt.f32 v10, $0.0e+00;
	vm11 =	vgt.f32 v10, $0.0e+00;
	v10 =	vcvt.f32.s32 v11;
	v11 =	vld [tilespmem:s18+$0xFFFFFEB0]  }
0x2e: {  	vm12 =	vgt.f32 v13, $0.0e+00;
	vm13 =	vlt.f32 v13, $0.0e+00;
	v9 =	vtrunc.f32 v9  }
0x2f: {  	v21 =	vand.u32 $0x7FFFFFFF, v13;
	v19 =	vsel vm9, $0xC, v0;
	v9 =	vcvt.f32.s32 v9  }
0x30: {  	v20 =	vsel vm10, $0xC, v0;
	v22 =	vsel vm13, $0xC, v0;
	v12 =	vsel vm8, $0x4, v19  }
0x31: {  	v14 =	vsel vm11, $0x4, v20;
	v13 =	vsel vm12, $0x4, v22;
	v9 =	vor.u32 v9, v12  }
0x32: {  	v12 =	vmin.f32 v21, $7.000000000e+00;
	v10 =	vor.u32 v10, v14;
	v23 =	vand.u32 $0x7FFFFFFF, v11  }
0x33: {  	v9 =	vmul.u32 v1, v9;
	v12 =	vtrunc.f32 v12;
	v14 =	vmin.f32 v23, $7.000000000e+00  }
0x34: {  	v12 =	vcvt.f32.s32 v12;
	vm14 =	vlt.f32 v11, $0.0e+00;
	v14 =	vtrunc.f32 v14  }
0x35: {  	vm15 =	vgt.f32 v11, $0.0e+00;
	v11 =	vsel vm14, $0xC, v0;
	v14 =	vcvt.f32.s32 v14  }
0x36: {  	v10 =	vmul.u32 v2, v10;
	v12 =	vor.u32 v12, v13;
	v11 =	vsel vm15, $0x4, v11  }
0x37: {  	v12 =	vmul.u32 v3, v12;
	v11 =	vor.u32 v14, v11  }
0x38: {  	v9 =	vxor.u32 v9, v10;
	v10 =	vmul.u32 v4, v11  }
0x39: {  	v9 =	vxor.u32 v12, v9  }
0x3a: {  	[tilespmem:s17+$0xFFFFFFD0] =	vst v0;
	v9 =	vxor.u32 v10, v9  }
0x3b: {  	[tilespmem:v24+s11+$0x0] =	vst.idx.msk $0xffff, v9  }
0x3c: {  	v9 =	vld [tilespmem:s18+$0xFFFFFF00]  }
0x3d: {  	v10 =	vld [tilespmem:s18+$0xFFFFFF10];
	_ =	sdelay $0x3  }
0x3e: {  	v13 =	vld [tilespmem:s18+$0xFFFFFF20];
	vm4 =	vgt.f32 v9, $0.0e+00;
	v11 =	vand.u32 $0x7FFFFFFF, v9  }
0x3f: {  	vm5 =	vlt.f32 v9, $0.0e+00;
	v9 =	vmin.f32 v11, $7.000000000e+00;
	v11 =	vand.u32 $0x7FFFFFFF, v10  }
0x40: {  	s26 =	sadd.s32 $0xFFFFFFFB, s16;
	v11 =	vmin.f32 v11, $7.000000000e+00  }
0x41: {  	v30 =	vadd.s32 s26, v5;
	v11 =	vtrunc.f32 v11  }
0x42: {  	vm6 =	vlt.f32 v10, $0.0e+00;
	vm7 =	vgt.f32 v10, $0.0e+00;
	v10 =	vcvt.f32.s32 v11;
	v11 =	vld [tilespmem:s18+$0xFFFFFF30]  }
0x43: {  	vm8 =	vgt.f32 v13, $0.0e+00;
	vm9 =	vlt.f32 v13, $0.0e+00;
	v9 =	vtrunc.f32 v9  }
0x44: {  	v27 =	vand.u32 $0x7FFFFFFF, v13;
	v25 =	vsel vm5, $0xC, v0;
	v9 =	vcvt.f32.s32 v9  }
0x45: {  	v26 =	vsel vm6, $0xC, v0;
	v28 =	vsel vm9, $0xC, v0;
	v12 =	vsel vm4, $0x4, v25  }
0x46: {  	v14 =	vsel vm7, $0x4, v26;
	v13 =	vsel vm8, $0x4, v28;
	v9 =	vor.u32 v9, v12  }
0x47: {  	v12 =	vmin.f32 v27, $7.000000000e+00;
	v10 =	vor.u32 v10, v14;
	v29 =	vand.u32 $0x7FFFFFFF, v11  }
0x48: {  	v9 =	vmul.u32 v1, v9;
	v12 =	vtrunc.f32 v12;
	v14 =	vmin.f32 v29, $7.000000000e+00  }
0x49: {  	v12 =	vcvt.f32.s32 v12;
	vm10 =	vlt.f32 v11, $0.0e+00;
	v14 =	vtrunc.f32 v14  }
0x4a: {  	vm11 =	vgt.f32 v11, $0.0e+00;
	v11 =	vsel vm10, $0xC, v0;
	v14 =	vcvt.f32.s32 v14  }
0x4b: {  	v10 =	vmul.u32 v2, v10;
	v12 =	vor.u32 v12, v13;
	v11 =	vsel vm11, $0x4, v11  }
0x4c: {  	v12 =	vmul.u32 v3, v12;
	v11 =	vor.u32 v14, v11  }
0x4d: {  	v9 =	vxor.u32 v9, v10;
	v10 =	vmul.u32 v4, v11  }
0x4e: {  	v9 =	vxor.u32 v12, v9  }
0x4f: {  	[tilespmem:s17+$0xFFFFFFE0] =	vst v0;
	v9 =	vxor.u32 v10, v9  }
0x50: {  	[tilespmem:v30+s11+$0x0] =	vst.idx.msk $0xffff, v9  }
0x51: {  	v9 =	vld [tilespmem:s18+$0xFFFFFF80]  }
0x52: {  	v10 =	vld [tilespmem:s18+$0xFFFFFF90];
	_ =	sdelay $0x3  }
0x53: {  	v13 =	vld [tilespmem:s18+$0xFFFFFFA0];
	vm12 =	vgt.f32 v9, $0.0e+00;
	v11 =	vand.u32 $0x7FFFFFFF, v9  }
0x54: {  	vm13 =	vlt.f32 v9, $0.0e+00;
	v9 =	vmin.f32 v11, $7.000000000e+00;
	v11 =	vand.u32 $0x7FFFFFFF, v10  }
0x55: {  	s28 =	sadd.s32 $0xFFFFFFFC, s16;
	v11 =	vmin.f32 v11, $7.000000000e+00  }
0x56: {  	v36 =	vadd.s32 s28, v5;
	v11 =	vtrunc.f32 v11  }
0x57: {  	vm14 =	vlt.f32 v10, $0.0e+00;
	vm15 =	vgt.f32 v10, $0.0e+00;
	v10 =	vcvt.f32.s32 v11;
	v11 =	vld [tilespmem:s18+$0xFFFFFFB0]  }
0x58: {  	vm4 =	vgt.f32 v13, $0.0e+00;
	vm5 =	vlt.f32 v13, $0.0e+00;
	v9 =	vtrunc.f32 v9  }
0x59: {  	v33 =	vand.u32 $0x7FFFFFFF, v13;
	v31 =	vsel vm13, $0xC, v0;
	v9 =	vcvt.f32.s32 v9  }
0x5a: {  	v32 =	vsel vm14, $0xC, v0;
	v34 =	vsel vm5, $0xC, v0;
	v12 =	vsel vm12, $0x4, v31  }
0x5b: {  	v14 =	vsel vm15, $0x4, v32;
	v13 =	vsel vm4, $0x4, v34;
	v9 =	vor.u32 v9, v12  }
0x5c: {  	v12 =	vmin.f32 v33, $7.000000000e+00;
	v10 =	vor.u32 v10, v14;
	v35 =	vand.u32 $0x7FFFFFFF, v11  }
0x5d: {  	v9 =	vmul.u32 v1, v9;
	v12 =	vtrunc.f32 v12;
	v14 =	vmin.f32 v35, $7.000000000e+00  }
0x5e: {  	v12 =	vcvt.f32.s32 v12;
	vm6 =	vlt.f32 v11, $0.0e+00;
	v14 =	vtrunc.f32 v14  }
0x5f: {  	vm7 =	vgt.f32 v11, $0.0e+00;
	v11 =	vsel vm6, $0xC, v0;
	v14 =	vcvt.f32.s32 v14  }
0x60: {  	v10 =	vmul.u32 v2, v10;
	v12 =	vor.u32 v12, v13;
	v11 =	vsel vm7, $0x4, v11  }
0x61: {  	v12 =	vmul.u32 v3, v12;
	v11 =	vor.u32 v14, v11  }
0x62: {  	v9 =	vxor.u32 v9, v10;
	v10 =	vmul.u32 v4, v11  }
0x63: {  	v9 =	vxor.u32 v12, v9  }
0x64: {  	[tilespmem:s17+$0xFFFFFFF0] =	vst v0;
	v9 =	vxor.u32 v10, v9  }
0x65: {  	[tilespmem:v36+s11+$0x0] =	vst.idx.msk $0xffff, v9  }
0x66: {  	v9 =	vld [tilespmem:s18+$0x0]  }
0x67: {  	v10 =	vld [tilespmem:s18+$0x10];
	_ =	sdelay $0x3  }
0x68: {  	v13 =	vld [tilespmem:s18+$0x20];
	vm8 =	vgt.f32 v9, $0.0e+00;
	v11 =	vand.u32 $0x7FFFFFFF, v9  }
0x69: {  	vm9 =	vlt.f32 v9, $0.0e+00;
	v9 =	vmin.f32 v11, $7.000000000e+00;
	v11 =	vand.u32 $0x7FFFFFFF, v10  }
0x6a: {  	s29 =	sadd.s32 $0xFFFFFFFD, s16;
	v11 =	vmin.f32 v11, $7.000000000e+00  }
0x6b: {  	v42 =	vadd.s32 s29, v5;
	v11 =	vtrunc.f32 v11  }
0x6c: {  	vm10 =	vlt.f32 v10, $0.0e+00;
	vm11 =	vgt.f32 v10, $0.0e+00;
	v10 =	vcvt.f32.s32 v11;
	v11 =	vld [tilespmem:s18+$0x30]  }
0x6d: {  	vm12 =	vgt.f32 v13, $0.0e+00;
	vm13 =	vlt.f32 v13, $0.0e+00;
	v9 =	vtrunc.f32 v9  }
0x6e: {  	v39 =	vand.u32 $0x7FFFFFFF, v13;
	v37 =	vsel vm9, $0xC, v0;
	v9 =	vcvt.f32.s32 v9  }
0x6f: {  	v38 =	vsel vm10, $0xC, v0;
	v40 =	vsel vm13, $0xC, v0;
	v12 =	vsel vm8, $0x4, v37  }
0x70: {  	v14 =	vsel vm11, $0x4, v38;
	v13 =	vsel vm12, $0x4, v40;
	v9 =	vor.u32 v9, v12  }
0x71: {  	v12 =	vmin.f32 v39, $7.000000000e+00;
	v10 =	vor.u32 v10, v14;
	v41 =	vand.u32 $0x7FFFFFFF, v11  }
0x72: {  	v9 =	vmul.u32 v1, v9;
	v12 =	vtrunc.f32 v12;
	v14 =	vmin.f32 v41, $7.000000000e+00  }
0x73: {  	v12 =	vcvt.f32.s32 v12;
	vm14 =	vlt.f32 v11, $0.0e+00;
	v14 =	vtrunc.f32 v14  }
0x74: {  	vm15 =	vgt.f32 v11, $0.0e+00;
	v11 =	vsel vm14, $0xC, v0;
	v14 =	vcvt.f32.s32 v14  }
0x75: {  	v10 =	vmul.u32 v2, v10;
	v12 =	vor.u32 v12, v13;
	v11 =	vsel vm15, $0x4, v11  }
0x76: {  	v12 =	vmul.u32 v3, v12;
	v11 =	vor.u32 v14, v11  }
0x77: {  	v9 =	vxor.u32 v9, v10;
	v10 =	vmul.u32 v4, v11  }
0x78: {  	v9 =	vxor.u32 v12, v9  }
0x79: {  	[tilespmem:s17+$0x0] =	vst v0;
	v9 =	vxor.u32 v10, v9  }
0x7a: {  	[tilespmem:v42+s11+$0x0] =	vst.idx.msk $0xffff, v9  }
0x7b: {  	v9 =	vld [tilespmem:s18+$0x80]  }
0x7c: {  	v10 =	vld [tilespmem:s18+$0x90];
	_ =	sdelay $0x3  }
0x7d: {  	v13 =	vld [tilespmem:s18+$0xA0];
	vm4 =	vgt.f32 v9, $0.0e+00;
	v11 =	vand.u32 $0x7FFFFFFF, v9  }
0x7e: {  	vm5 =	vlt.f32 v9, $0.0e+00;
	v9 =	vmin.f32 v11, $7.000000000e+00;
	v11 =	vand.u32 $0x7FFFFFFF, v10  }
0x7f: {  	s30 =	sadd.s32 $0xFFFFFFFE, s16;
	v11 =	vmin.f32 v11, $7.000000000e+00  }
0x80: {  	v48 =	vadd.s32 s30, v5;
	v11 =	vtrunc.f32 v11  }
0x81: {  	vm6 =	vlt.f32 v10, $0.0e+00;
	vm7 =	vgt.f32 v10, $0.0e+00;
	v10 =	vcvt.f32.s32 v11;
	v11 =	vld [tilespmem:s18+$0xB0]  }
0x82: {  	vm8 =	vgt.f32 v13, $0.0e+00;
	vm9 =	vlt.f32 v13, $0.0e+00;
	v9 =	vtrunc.f32 v9  }
0x83: {  	v45 =	vand.u32 $0x7FFFFFFF, v13;
	v43 =	vsel vm5, $0xC, v0;
	v9 =	vcvt.f32.s32 v9  }
0x84: {  	v44 =	vsel vm6, $0xC, v0;
	v46 =	vsel vm9, $0xC, v0;
	v12 =	vsel vm4, $0x4, v43  }
0x85: {  	v14 =	vsel vm7, $0x4, v44;
	v13 =	vsel vm8, $0x4, v46;
	v9 =	vor.u32 v9, v12  }
0x86: {  	v12 =	vmin.f32 v45, $7.000000000e+00;
	v10 =	vor.u32 v10, v14;
	v47 =	vand.u32 $0x7FFFFFFF, v11  }
0x87: {  	v9 =	vmul.u32 v1, v9;
	v12 =	vtrunc.f32 v12;
	v14 =	vmin.f32 v47, $7.000000000e+00  }
0x88: {  	v12 =	vcvt.f32.s32 v12;
	vm10 =	vlt.f32 v11, $0.0e+00;
	v14 =	vtrunc.f32 v14  }
0x89: {  	vm11 =	vgt.f32 v11, $0.0e+00;
	v11 =	vsel vm10, $0xC, v0;
	v14 =	vcvt.f32.s32 v14  }
0x8a: {  	v10 =	vmul.u32 v2, v10;
	v12 =	vor.u32 v12, v13;
	v11 =	vsel vm11, $0x4, v11  }
0x8b: {  	v12 =	vmul.u32 v3, v12;
	v11 =	vor.u32 v14, v11  }
0x8c: {  	v9 =	vxor.u32 v9, v10;
	v10 =	vmul.u32 v4, v11  }
0x8d: {  	v9 =	vxor.u32 v12, v9  }
0x8e: {  	[tilespmem:s17+$0x10] =	vst v0;
	v9 =	vxor.u32 v10, v9  }
0x8f: {  	[tilespmem:v48+s11+$0x0] =	vst.idx.msk $0xffff, v9  }
0x90: {  	v9 =	vld [tilespmem:s18+$0x100]  }
0x91: {  	v10 =	vld [tilespmem:s18+$0x110];
	_ =	sdelay $0x3  }
0x92: {  	v13 =	vld [tilespmem:s18+$0x120];
	vm12 =	vgt.f32 v9, $0.0e+00;
	v11 =	vand.u32 $0x7FFFFFFF, v9  }
0x93: {  	vm13 =	vlt.f32 v9, $0.0e+00;
	v9 =	vmin.f32 v11, $7.000000000e+00;
	v11 =	vand.u32 $0x7FFFFFFF, v10  }
0x94: {  	s31 =	sadd.s32 $0xFFFFFFFF, s16;
	v11 =	vmin.f32 v11, $7.000000000e+00  }
0x95: {  	v54 =	vadd.s32 s31, v5;
	v11 =	vtrunc.f32 v11  }
0x96: {  	vm14 =	vlt.f32 v10, $0.0e+00;
	vm15 =	vgt.f32 v10, $0.0e+00;
	v10 =	vcvt.f32.s32 v11;
	v11 =	vld [tilespmem:s18+$0x130]  }
0x97: {  	vm4 =	vgt.f32 v13, $0.0e+00;
	vm5 =	vlt.f32 v13, $0.0e+00;
	v9 =	vtrunc.f32 v9  }
0x98: {  	v51 =	vand.u32 $0x7FFFFFFF, v13;
	v49 =	vsel vm13, $0xC, v0;
	v9 =	vcvt.f32.s32 v9  }
0x99: {  	v50 =	vsel vm14, $0xC, v0;
	v52 =	vsel vm5, $0xC, v0;
	v12 =	vsel vm12, $0x4, v49  }
0x9a: {  	v14 =	vsel vm15, $0x4, v50;
	v13 =	vsel vm4, $0x4, v52;
	v9 =	vor.u32 v9, v12  }
0x9b: {  	v12 =	vmin.f32 v51, $7.000000000e+00;
	v10 =	vor.u32 v10, v14;
	v53 =	vand.u32 $0x7FFFFFFF, v11  }
0x9c: {  	v9 =	vmul.u32 v1, v9;
	v12 =	vtrunc.f32 v12;
	v14 =	vmin.f32 v53, $7.000000000e+00  }
0x9d: {  	v12 =	vcvt.f32.s32 v12;
	vm6 =	vlt.f32 v11, $0.0e+00;
	v14 =	vtrunc.f32 v14  }
0x9e: {  	vm7 =	vgt.f32 v11, $0.0e+00;
	v11 =	vsel vm6, $0xC, v0;
	v14 =	vcvt.f32.s32 v14  }
0x9f: {  	v10 =	vmul.u32 v2, v10;
	v12 =	vor.u32 v12, v13;
	v11 =	vsel vm7, $0x4, v11  }
0xa0: {  	v12 =	vmul.u32 v3, v12;
	v11 =	vor.u32 v14, v11  }
0xa1: {  	v9 =	vxor.u32 v9, v10;
	v10 =	vmul.u32 v4, v11  }
0xa2: {  	v9 =	vxor.u32 v12, v9  }
0xa3: {  	[tilespmem:s17+$0x20] =	vst v0;
	v9 =	vxor.u32 v10, v9  }
0xa4: {  	[tilespmem:v54+s11+$0x0] =	vst.idx.msk $0xffff, v9  }
0xa5: {  	v9 =	vld [tilespmem:s18+$0x180]  }
0xa6: {  	v10 =	vld [tilespmem:s18+$0x190]  }
0xa7: {  	v55 =	vld [tilespmem:s18+$0x1A0];
	_ =	sdelay $0x1  }
0xa8: {  	v57 =	vld [tilespmem:s18+$0x1B0]  }
0xa9: {  	v63 =	vadd.s32 s16, v5;
	vm8 =	vgt.f32 v9, $0.0e+00  }
0xaa: {  	v11 =	vand.u32 $0x7FFFFFFF, v9;
	vm9 =	vlt.f32 v9, $0.0e+00;
	vm10 =	vlt.f32 v10, $0.0e+00  }
0xab: {  	vm11 =	vgt.f32 v10, $0.0e+00;
	v59 =	vand.u32 $0x7FFFFFFF, v55;
	vm12 =	vgt.f32 v55, $0.0e+00  }
0xac: {  	vm13 =	vlt.f32 v55, $0.0e+00;
	v9 =	vmin.f32 v11, $7.000000000e+00;
	v11 =	vand.u32 $0x7FFFFFFF, v10  }
0xad: {  	v60 =	vand.u32 $0x7FFFFFFF, v57;
	v9 =	vtrunc.f32 v9;
	v11 =	vmin.f32 v11, $7.000000000e+00  }
0xae: {  	v56 =	vsel vm9, $0xC, v0;
	v9 =	vcvt.f32.s32 v9;
	v11 =	vtrunc.f32 v11  }
0xaf: {  	vm14 =	vlt.f32 v57, $0.0e+00;
	v10 =	vcvt.f32.s32 v11;
	v11 =	vsel vm8, $0x4, v56  }
0xb0: {  	vm15 =	vgt.f32 v57, $0.0e+00;
	v9 =	vor.u32 v9, v11;
	v11 =	vmin.f32 v59, $7.000000000e+00  }
0xb1: {  	v15 =	vsel vm10, $0xC, v0;
	v12 =	vsel vm13, $0xC, v0;
	v11 =	vtrunc.f32 v11  }
0xb2: {  	v13 =	vmin.f32 v60, $7.000000000e+00;
	v62 =	vsel vm14, $0xC, v0;
	v11 =	vcvt.f32.s32 v11  }
0xb3: {  	v58 =	vsel vm11, $0x4, v15;
	v12 =	vsel vm12, $0x4, v12;
	v61 =	vtrunc.f32 v13  }
0xb4: {  	v10 =	vor.u32 v10, v58;
	v11 =	vor.u32 v11, v12;
	v12 =	vcvt.f32.s32 v61  }
0xb5: {  	p0 =	sne.s32 s16, $0xFF;
	v13 =	vsel vm15, $0x4, v62;
	v9 =	vmul.u32 v1, v9;
	v10 =	vmul.u32 v2, v10  }
.Ltmp0:
0xb6: {  	v11 =	vmul.u32 v3, v11;
	v12 =	vor.u32 v12, v13;
	(pc) =	sbr.rel @p0 .LBB2_2-.Ltmp0, $4  }
0xb7: {  	v9 =	vxor.u32 v9, v10;
	v10 =	vmul.u32 v4, v12  }
0xb8: {  	v9 =	vxor.u32 v11, v9  }
0xb9: {  	[tilespmem:s17+$0x30] =	vst v0;
	v9 =	vxor.u32 v10, v9  }
0xba: {  	s16 =	sadd.s32 $0x8, s16;
	s17 =	sadd.s32 $0x80, s17;
	s18 =	sadd.s32 $0x400, s18;
	[tilespmem:v63+s11+$0x0] =	vst.idx.msk $0xffff, v9  }
0xbb: {  	s16 =	simm.s32 $0x8808  }
0xbc: {  	v9 =	vld [tilespmem:s16+$0xFFFFF7F8]  }
0xbd: {  	v10 =	vld [tilespmem:s16+$0xFFFFF8F9]  }
0xbe: {  	v11 =	vld [tilespmem:s16+$0xFFFFF9FA]  }
0xbf: {  	v12 =	vld [tilespmem:s16+$0xFFFFFAFB]  }
0xc0: {  	v13 =	vld [tilespmem:s16+$0xFFFFFBFC]  }
0xc1: {  	v14 =	vld [tilespmem:s16+$0xFFFFFCFD]  }
0xc2: {  	v9 =	vxor.u32 v9, v10;
	v10 =	vld [tilespmem:s16+$0xFFFFFDFE]  }
0xc3: {  	v9 =	vxor.u32 v11, v9;
	v11 =	vld [tilespmem:s16+$0xFFFFFEFF]  }
0xc4: {  	v58 =	vld [tilespmem:s16+$0x0];
	v9 =	vxor.u32 v12, v9  }
0xc5: {  	v59 =	vld [tilespmem:s16+$0x101];
	v9 =	vxor.u32 v13, v9  }
0xc6: {  	v60 =	vld [tilespmem:s16+$0x202];
	v9 =	vxor.u32 v14, v9  }
0xc7: {  	v9 =	vxor.u32 v10, v9;
	v10 =	vld [tilespmem:s16+$0x303]  }
0xc8: {  	v9 =	vxor.u32 v11, v9;
	v11 =	vld [tilespmem:s16+$0x404]  }
0xc9: {  	v61 =	vld [tilespmem:s16+$0x505];
	v9 =	vxor.u32 v58, v9  }
0xca: {  	v62 =	vld [tilespmem:s16+$0x606];
	v9 =	vxor.u32 v59, v9  }
0xcb: {  	v63 =	vld [tilespmem:s16+$0x707];
	v9 =	vxor.u32 v60, v9  }
0xcc: {  	v9 =	vxor.u32 v10, v9  }
0xcd: {  	v9 =	vxor.u32 v11, v9  }
0xce: {  	v9 =	vxor.u32 v61, v9  }
0xcf: {  	v9 =	vxor.u32 v62, v9  }
0xd0: {  	v9 =	vxor.u32 v63, v9  }
0xd1: {  	v10 =	vand.u32 $0x3F, v9  }
0xd2: {  	s31 =	simm.s32 $0x0;
	v11 =	vshrl.u32 v10, $0x2  }
0xd3: {  	v11 =	vor.u32 s31, v11  }
0xd4: {  	v10 =	vmul.u32 $0x10001, v10;
	v11 =	vor.u32 v8, v11;
	_ =	sdelay $0x1  }
0xd5: {  	s16 =	simm.s32 $0x9080;
	v9 =	vand.u32 $0x2, v9;
	v10 =	vxor.u32 $0x10000, v10  }
0xd6: {  	s17 =	simm.s32 $0x9180;
	vm0 =	veq.s32 v9, $0x0;
	[tilespmem:s16+$0x0] =	vst v10  }
0xd7: {  	v9 =	vsel vm0, $0x3030, v7;
	[tilespmem:s17+$0x0] =	vst v6  }
0xd8: {  	s19 =	simm.s32 $0x8818;
	[tilespmem:v11+s12+$0x0] =	vst.idx.msk $0xffff, v9  }
0xd9: {  	v9 =	vld [tilespmem:s19+$0xFFFFF7F8]  }
0xda: {  	s18 =	simm.s32 $0x100;
	s20 =	simm.s32 $0x200;
	v10 =	vld [tilespmem:s19+$0xFFFFF8F9]  }
.LBB2_4:
0xdb: {  	p0 =	sne.s32 s20, $0xF00;
	v11 =	vld [tilespmem:s19+$0xFFFFF9FA]  }
0xdc: {  	v12 =	vld [tilespmem:s19+$0xFFFFFAFB]  }
0xdd: {  	v13 =	vld [tilespmem:s19+$0xFFFFFBFC]  }
0xde: {  	v14 =	vld [tilespmem:s19+$0xFFFFFCFD]  }
0xdf: {  	v9 =	vxor.u32 v9, v10;
	v10 =	vld [tilespmem:s19+$0xFFFFFDFE]  }
0xe0: {  	v9 =	vxor.u32 v11, v9;
	v11 =	vld [tilespmem:s19+$0xFFFFFEFF]  }
0xe1: {  	v9 =	vxor.u32 v12, v9;
	v12 =	vld [tilespmem:s19+$0x0]  }
0xe2: {  	v9 =	vxor.u32 v13, v9;
	v13 =	vld [tilespmem:s19+$0x101]  }
0xe3: {  	v9 =	vxor.u32 v14, v9;
	v14 =	vld [tilespmem:s19+$0x202]  }
0xe4: {  	v9 =	vxor.u32 v10, v9;
	v10 =	vld [tilespmem:s19+$0x303]  }
0xe5: {  	v9 =	vxor.u32 v11, v9;
	v11 =	vld [tilespmem:s19+$0x404]  }
0xe6: {  	v9 =	vxor.u32 v12, v9;
	v12 =	vld [tilespmem:s19+$0x505]  }
0xe7: {  	v9 =	vxor.u32 v13, v9;
	v13 =	vld [tilespmem:s19+$0x606]  }
0xe8: {  	v9 =	vxor.u32 v14, v9;
	v14 =	vld [tilespmem:s19+$0x707]  }
0xe9: {  	v9 =	vxor.u32 v10, v9  }
0xea: {  	v9 =	vxor.u32 v11, v9  }
0xeb: {  	v9 =	vxor.u32 v12, v9  }
0xec: {  	v9 =	vxor.u32 v13, v9  }
0xed: {  	v9 =	vxor.u32 v14, v9  }
0xee: {  	v10 =	vand.u32 $0x3F, v9  }
0xef: {  	v11 =	vshrl.u32 v10, $0x2  }
0xf0: {  	v11 =	vor.u32 s18, v11;
	s18 =	smov.u32 s20  }
0xf1: {  	v10 =	vmul.u32 $0x10001, v10;
	v11 =	vor.u32 v8, v11;
	_ =	sdelay $0x1  }
0xf2: {  	s16 =	sadd.s32 $0x10, s16;
	v9 =	vand.u32 $0x2, v9;
	v10 =	vxor.u32 $0x10000, v10  }
.Ltmp1:
0xf3: {  	s17 =	sadd.s32 $0x10, s17;
	vm0 =	veq.s32 v9, $0x0;
	[tilespmem:s16+$0x0] =	vst v10;
	(pc) =	sbr.rel @p0 .LBB2_4-.Ltmp1, $4  }
0xf4: {  	v9 =	vsel vm0, $0x3030, v7;
	[tilespmem:s17+$0x0] =	vst v6  }
0xf5: {  	s19 =	sadd.s32 $0x10, s19;
	[tilespmem:v11+s12+$0x0] =	vst.idx.msk $0xffff, v9  }
0xf6: {  	v9 =	vld [tilespmem:s19+$0xFFFFF7F8]  }
0xf7: {  	s20 =	sadd.s32 $0x100, s20;
	v10 =	vld [tilespmem:s19+$0xFFFFF8F9]  }
0xf8: {  	v11 =	vld [tilespmem:s19+$0xFFFFF9FA]  }
0xf9: {  	v12 =	vld [tilespmem:s19+$0xFFFFFAFB]  }
0xfa: {  	v13 =	vld [tilespmem:s19+$0xFFFFFBFC]  }
0xfb: {  	v14 =	vld [tilespmem:s19+$0xFFFFFCFD]  }
0xfc: {  	v9 =	vxor.u32 v9, v10;
	v10 =	vld [tilespmem:s19+$0xFFFFFDFE]  }
0xfd: {  	v9 =	vxor.u32 v11, v9;
	v11 =	vld [tilespmem:s19+$0xFFFFFEFF]  }
0xfe: {  	v58 =	vld [tilespmem:s19+$0x0];
	v9 =	vxor.u32 v12, v9  }
0xff: {  	v59 =	vld [tilespmem:s19+$0x101];
	v9 =	vxor.u32 v13, v9  }
0x100: {  	v60 =	vld [tilespmem:s19+$0x202];
	v9 =	vxor.u32 v14, v9  }
0x101: {  	v9 =	vxor.u32 v10, v9;
	v10 =	vld [tilespmem:s19+$0x303]  }
0x102: {  	v9 =	vxor.u32 v11, v9;
	v11 =	vld [tilespmem:s19+$0x404]  }
0x103: {  	v61 =	vld [tilespmem:s19+$0x505];
	v9 =	vxor.u32 v58, v9  }
0x104: {  	v62 =	vld [tilespmem:s19+$0x606];
	v9 =	vxor.u32 v59, v9  }
0x105: {  	v63 =	vld [tilespmem:s19+$0x707];
	v9 =	vxor.u32 v60, v9  }
0x106: {  	v9 =	vxor.u32 v10, v9  }
0x107: {  	v9 =	vxor.u32 v11, v9  }
0x108: {  	v9 =	vxor.u32 v61, v9  }
0x109: {  	v9 =	vxor.u32 v62, v9  }
0x10a: {  	v9 =	vxor.u32 v63, v9  }
0x10b: {  	v10 =	vand.u32 $0x3F, v9  }
0x10c: {  	v11 =	vshrl.u32 v10, $0x2  }
0x10d: {  	v11 =	vor.u32 s18, v11  }
0x10e: {  	v10 =	vmul.u32 $0x10001, v10;
	v11 =	vor.u32 v8, v11;
	_ =	sdelay $0x1  }
0x10f: {  	s16 =	sadd.s32 $0x10, s16;
	v9 =	vand.u32 $0x2, v9;
	v10 =	vxor.u32 $0x10000, v10  }
0x110: {  	s31 =	sadd.s32 $0x10, s17;
	vm0 =	veq.s32 v9, $0x0;
	[tilespmem:s16+$0x0] =	vst v10  }
0x111: {  	v9 =	vsel vm0, $0x3030, v7;
	[tilespmem:s31+$0x0] =	vst v6  }
0x112: {  	[tilespmem:v11+s12+$0x0] =	vst.idx.msk $0xffff, v9  }
0x113: {  	[hbm4b:s4+s2] =	stream.linear.scatter [tilespmem:s13], [sflag:$0x1], $0x100, $0x38;
	[tilespmem:$0xA280] =	vst v63  }
0x114: {  	_ =	swait.ge [sflag:s10], $0x100  }
0x115: {  	[sflag:s10] =	ssyncset.done $0x0  }
0x116: {  	[sflag:s10] =	ssyncadd.s32 $0xFFFFFF00  }
0x117: {  	[hbm4b:s5+s2] =	stream.linear.scatter [tilespmem:s14], [sflag:$0x1], $0x100, $0x38;
	[tilespmem:$0xA280] =	vst v63  }
0x118: {  	s15 =	sadd.s32 $0x1, s15;
	_ =	swait.ge [sflag:s10], $0x100  }
0x119: {  	p0 =	sne.s32 s15, s7;
	[sflag:s10] =	ssyncset.done $0x0  }
.Ltmp2:
0x11a: {  	[sflag:s10] =	ssyncadd.s32 $0xFFFFFF00;
	(pc) =	sbr.rel @p0 .LBB2_1-.Ltmp2, $4  }
0x11b: {  	[hbm4b:s6+s2] =	stream.linear.scatter [tilespmem:s12], [sflag:$0x1], $0x1000, $0x38;
	[tilespmem:$0xA280] =	vst v63  }
0x11c: {  	_ =	swait.ge [sflag:s10], $0x1000  }
0x11d: {  	[sflag:s10] =	ssyncset.done $0x0  }
0x11e: {  	[sflag:s10] =	ssyncadd.s32 $0xFFFFF000  }
0x11f: {  	_ =	sfence.sel $0x180000  }
0x120: {  	[bflag:$0x0] =	sbarrier.arrive $0xFFFF  }
0x121: {  	p0 =	sne.s32 s1, $0x0;
	_ =	strace $0x90000047  }
0x122: {  	s0 =	sadd.s32 @!p0 $0x100000, s0;
	[bflag:$0x2] =	sbarrier.arrive $0xFFFF  }
0x123: {  	[sflag:s0] =	ssyncadd.tile.s32 @!p0 $0x1;
	_ =	shalt  }
.Lfunc_end2:
_tile_overlayer_lowered:
.L_overlay_start_2:
0x124: {  	(tag) =	ssettag $0x2  }
0x125: {  	s0 =	rddreg [dreg:$0x0];
	s2 =	stileid.u32  }
0x126: {  	s1 =	rddreg [dreg:$0x1];
	p0 =	sne.s32 s2, $0x0  }
0x127: {  	s3 =	rddreg [dreg:$0x2];
	[bflag:$0x3] =	sbarrier.arrive $0xFFFF;
	s2 =	simm.s32 @!p0 $0x1C01  }
0x128: {  	[timem:s3], [sflag:s2] =	dma.local @!p0 [hbm:s0], s1  }
0x129: {  	s0 =	simm.s32 @!p0 $0x1  }
0x12a: {  	_ =	swait.ge @!p0 [sflag:s0], s1  }
0x12b: {  	s1 =	ssub.s32 @!p0 $0x0, s1;
	[sflag:s0] =	ssyncset.done @!p0 $0x0  }
0x12c: {  	[sflag:s0] =	ssyncadd.s32 @!p0 s1  }
0x12d: {  	[bflag:$0x3] =	sbarrier.arrive $0xFFFF  }
0x12e: {  	_ =	shalt  }

</sc_bundles>
